<compile_context>
chip_gen: v7x
topology: tpu7x:2x2x1
jax: 0.10.2.dev20260603
libtpu: 0.0.44.dev20260713+nightly
codegen_flags: <defaults>
</compile_context>

<pallas_src>
import functools

import jax
import jax.numpy as jnp
from jax import lax
from jax.experimental import pallas as pl
from jax.experimental.pallas import tpu as pltpu
from jax.experimental.pallas import tpu_sc as plsc

_SC_ROWS = 9600
_TC_BLOCK_ROWS = 9040

_NUM_CORES = 2
_NUM_SUBCORES = 16
_NUM_WORKERS = _NUM_CORES * _NUM_SUBCORES
_LANES = 16
_SC_CHUNK = 12800
_UNROLL = 8


def _tc_sse_kernel(ng_ref, p_ref, t_ref, o_ref):
    i = pl.program_id(0)

    @pl.when(i == 0)
    def _():
        o_ref[0] = 0.0

    d = p_ref[...] - t_ref[...]
    o_ref[0] += jnp.sum(d * d)

    @pl.when(i == pl.num_programs(0) - 1)
    def _():
        o_ref[0] = o_ref[0] / ng_ref[0]


def _sc_sse_body(base_elt, n_elts, p_hbm, t_hbm, o_hbm, pb, tb, ob,
                 sem_p0, sem_p1, sem_t0, sem_t1):
    wid = lax.axis_index("s") * _NUM_CORES + lax.axis_index("c")
    per_worker = n_elts // _NUM_WORKERS
    n_chunks = per_worker // _SC_CHUNK
    base = base_elt + wid * per_worker

    sem_p = (sem_p0, sem_p1)
    sem_t = (sem_t0, sem_t1)

    def copies(k, slot):
        src = pl.ds(base + k * _SC_CHUNK, _SC_CHUNK)
        cp = pltpu.make_async_copy(p_hbm.at[src], pb.at[slot], sem_p[slot])
        ct = pltpu.make_async_copy(t_hbm.at[src], tb.at[slot], sem_t[slot])
        return cp, ct

    cp, ct = copies(0, 0)
    cp.start()
    ct.start()

    acc = tuple(jnp.zeros((_LANES,), jnp.float32) for _ in range(_UNROLL))
    for k in range(n_chunks):
        slot = k % 2
        if k + 1 < n_chunks:
            cpn, ctn = copies(k + 1, 1 - slot)
            cpn.start()
            ctn.start()
        cp, ct = copies(k, slot)
        cp.wait()
        ct.wait()

        pb_s = pb.at[slot]
        tb_s = tb.at[slot]

        def body(j, accs):
            group = j * (_UNROLL * _LANES)
            out = []
            for u in range(_UNROLL):
                off = group + u * _LANES
                d = pb_s[pl.ds(off, _LANES)] - tb_s[pl.ds(off, _LANES)]
                out.append(accs[u] + d * d)
            return tuple(out)

        acc = lax.fori_loop(0, _SC_CHUNK // (_UNROLL * _LANES), body, acc)

    total = acc[0]
    for u in range(1, _UNROLL):
        total = total + acc[u]
    ob[...] = total
    pltpu.sync_copy(ob, o_hbm.at[wid])


def _sc_partial_sums(pred_flat, target_flat, base_elt, n_elts):
    mesh = plsc.VectorSubcoreMesh(core_axis_name="c", subcore_axis_name="s", num_cores=2)
    kern = functools.partial(
        pl.kernel,
        mesh=mesh,
        out_type=jax.ShapeDtypeStruct((_NUM_WORKERS, _LANES), jnp.float32),
        scratch_types=[
            pltpu.VMEM((2, _SC_CHUNK), jnp.float32),
            pltpu.VMEM((2, _SC_CHUNK), jnp.float32),
            pltpu.VMEM((_LANES,), jnp.float32),
            pltpu.SemaphoreType.DMA,
            pltpu.SemaphoreType.DMA,
            pltpu.SemaphoreType.DMA,
            pltpu.SemaphoreType.DMA,
        ],
    )(functools.partial(_sc_sse_body, base_elt, n_elts))
    return kern(pred_flat, target_flat)


def kernel(pred, target, batch_idx, num_graphs):
    del batch_idx
    n_rows, n_feat = pred.shape
    tc_rows = n_rows - _SC_ROWS
    ng = jnp.asarray(num_graphs, jnp.float32).reshape(1)

    sc_partials = _sc_partial_sums(
        pred.reshape(n_rows * n_feat),
        target.reshape(n_rows * n_feat),
        tc_rows * n_feat,
        _SC_ROWS * n_feat,
    )

    tc_part = pl.pallas_call(
        _tc_sse_kernel,
        grid=(tc_rows // _TC_BLOCK_ROWS,),
        in_specs=[
            pl.BlockSpec(memory_space=pltpu.SMEM),
            pl.BlockSpec((_TC_BLOCK_ROWS, n_feat), lambda i: (i, 0)),
            pl.BlockSpec((_TC_BLOCK_ROWS, n_feat), lambda i: (i, 0)),
        ],
        out_specs=pl.BlockSpec((1,), lambda i: (0,), memory_space=pltpu.SMEM),
        out_shape=jax.ShapeDtypeStruct((1,), jnp.float32),
    )(ng, pred, target)

    return tc_part[0] + jnp.sum(sc_partials) / num_graphs

# --- scband reference (transcript-rebuilt; emitter-appended) ---
"""Pipeline reference for scband-loss-component-11751030522834 (READ-ONLY COPY).

The authoritative reference and input builder live on the scoring server;
editing this copy changes nothing except your own understanding.
"""

import jax, jax.numpy as jnp
import numpy as np

N = 100000
D = 128
G = 256
WEIGHT = 1.0

def setup_inputs(seed: int = 0) -> dict:
    key = jax.random.key(seed)
    k1, k2, k3 = jax.random.split(key, 3)
    pred = jax.random.normal(k1, (N, D), dtype=jnp.float32)
    target = jax.random.normal(k2, (N, D), dtype=jnp.float32)
    batch_idx = jnp.sort(jax.random.randint(k3, (N,), 0, G, dtype=jnp.int64))
    return {"pred": pred, "target": target, "batch_idx": batch_idx, "num_graphs": G}

def reference(pred, target, batch_idx, num_graphs):
    # elementwise_error: squared error (MSE-style concrete LossComponent)
    error = (pred - target) ** 2
    # level == 'node': sum over feature dims, then segmented reduce to per-graph
    error_flat = error.reshape(error.shape[0], -1).sum(axis=-1)
    per_graph = jax.ops.segment_sum(error_flat, batch_idx, num_segments=G)
    # reduction == 'mean'
    loss = per_graph.sum() / num_graphs
    return loss * WEIGHT

if __name__ == "__main__":
    import jax
    _d = setup_inputs()
    print(jax.jit(kernel)(*tuple(_d.values())))

</pallas_src>

<mosaic_0001>
#map = affine_map<(d0, d1) -> (0)>
#map1 = affine_map<(d0, d1) -> (0, 0)>
module attributes {stable_mosaic.version = 14 : i64} {
  func.func @_sc_sse_body(%arg0: i32, %arg1: i32, %arg2: memref<12800000xf32, #tpu.memory_space<hbm>>, %arg3: memref<12800000xf32, #tpu.memory_space<hbm>>, %arg4: memref<32x16xf32, #tpu.memory_space<hbm>>, %arg5: memref<2x12800xf32, #tpu.memory_space<vmem>>, %arg6: memref<2x12800xf32, #tpu.memory_space<vmem>>, %arg7: memref<16xf32, #tpu.memory_space<vmem>>, %arg8: memref<!tpu.dma_semaphore, #tpu.memory_space<semaphore_mem>>, %arg9: memref<!tpu.dma_semaphore, #tpu.memory_space<semaphore_mem>>, %arg10: memref<!tpu.dma_semaphore, #tpu.memory_space<semaphore_mem>>, %arg11: memref<!tpu.dma_semaphore, #tpu.memory_space<semaphore_mem>>) attributes {dimension_semantics = [#tpu.dimension_semantics<core_parallel>, #tpu.dimension_semantics<subcore_parallel>], iteration_bounds = array<i64: 2, 16>, scalar_prefetch = 0 : i64, scratch_operands = 7 : i64, tpu.core_type = #tpu.core_type<sc_vector_subcore>, window_params = [{transform_indices = #map}, {transform_indices = #map}, {transform_indices = #map1}]} {
    %mul3A = arith.constant 2 : i32
    %mul3A_0 = arith.muli %arg1, %mul3A : i32
    %add3A = arith.addi %mul3A_0, %arg0 : i32
    %mul3A_1 = arith.constant 38400 : i32
    %mul3A_2 = arith.muli %add3A, %mul3A_1 : i32
    %add3A_3 = arith.constant 11571200 : i32
    %add3A_4 = arith.addi %add3A_3, %mul3A_2 : i32
    %add3A_5 = arith.constant 0 : i32
    %add3A_6 = arith.addi %add3A_4, %add3A_5 : i32
    %dma_start3A = arith.constant 0 : i32
    %dma_start3A_7 = arith.constant 0 : i32
    %dma_start3A_8 = tpu.memref_slice %arg5[%dma_start3A, %dma_start3A_7] : memref<2x12800xf32, #tpu.memory_space<vmem>> -> memref<1x12800xf32, #tpu.memory_space<vmem>>
    %dma_start3A_9 = tpu.memref_squeeze %dma_start3A_8 : memref<1x12800xf32, #tpu.memory_space<vmem>> -> memref<12800xf32, #tpu.memory_space<vmem>>
    %dma_start3A_10 = tpu.memref_slice %arg2[%add3A_6] : memref<12800000xf32, #tpu.memory_space<hbm>> -> memref<12800xf32, #tpu.memory_space<hbm>>
    %dma_start3A_11 = arith.constant 0 : i32
    %dma_start3A_12 = tpu.memref_slice %arg5[%dma_start3A, %dma_start3A_11] : memref<2x12800xf32, #tpu.memory_space<vmem>> -> memref<1x12800xf32, #tpu.memory_space<vmem>>
    %dma_start3A_13 = tpu.memref_squeeze %dma_start3A_12 : memref<1x12800xf32, #tpu.memory_space<vmem>> -> memref<12800xf32, #tpu.memory_space<vmem>>
    %dma_start3A_14 = tpu.memref_slice %arg2[%add3A_6] : memref<12800000xf32, #tpu.memory_space<hbm>> -> memref<12800xf32, #tpu.memory_space<hbm>>
    tpu.enqueue_dma source(%dma_start3A_14 : memref<12800xf32, #tpu.memory_space<hbm>>) target(%dma_start3A_13 : memref<12800xf32, #tpu.memory_space<vmem>>) target_semaphore(%arg8 : memref<!tpu.dma_semaphore, #tpu.memory_space<semaphore_mem>>)
    %dma_start3A_15 = arith.constant 0 : i32
    %dma_start3A_16 = arith.constant 0 : i32
    %dma_start3A_17 = tpu.memref_slice %arg6[%dma_start3A_15, %dma_start3A_16] : memref<2x12800xf32, #tpu.memory_space<vmem>> -> memref<1x12800xf32, #tpu.memory_space<vmem>>
    %dma_start3A_18 = tpu.memref_squeeze %dma_start3A_17 : memref<1x12800xf32, #tpu.memory_space<vmem>> -> memref<12800xf32, #tpu.memory_space<vmem>>
    %dma_start3A_19 = tpu.memref_slice %arg3[%add3A_6] : memref<12800000xf32, #tpu.memory_space<hbm>> -> memref<12800xf32, #tpu.memory_space<hbm>>
    %dma_start3A_20 = arith.constant 0 : i32
    %dma_start3A_21 = tpu.memref_slice %arg6[%dma_start3A_15, %dma_start3A_20] : memref<2x12800xf32, #tpu.memory_space<vmem>> -> memref<1x12800xf32, #tpu.memory_space<vmem>>
    %dma_start3A_22 = tpu.memref_squeeze %dma_start3A_21 : memref<1x12800xf32, #tpu.memory_space<vmem>> -> memref<12800xf32, #tpu.memory_space<vmem>>
    %dma_start3A_23 = tpu.memref_slice %arg3[%add3A_6] : memref<12800000xf32, #tpu.memory_space<hbm>> -> memref<12800xf32, #tpu.memory_space<hbm>>
    tpu.enqueue_dma source(%dma_start3A_23 : memref<12800xf32, #tpu.memory_space<hbm>>) target(%dma_start3A_22 : memref<12800xf32, #tpu.memory_space<vmem>>) target_semaphore(%arg10 : memref<!tpu.dma_semaphore, #tpu.memory_space<semaphore_mem>>)
    %broadcast_in_dim3A = arith.constant 0.000000e+00 : f32
    %broadcast_in_dim3A_24 = vector.broadcast %broadcast_in_dim3A : f32 to vector<16xf32>
    %broadcast_in_dim3A_25 = arith.constant 0.000000e+00 : f32
    %broadcast_in_dim3A_26 = vector.broadcast %broadcast_in_dim3A_25 : f32 to vector<16xf32>
    %broadcast_in_dim3A_27 = arith.constant 0.000000e+00 : f32
    %broadcast_in_dim3A_28 = vector.broadcast %broadcast_in_dim3A_27 : f32 to vector<16xf32>
    %broadcast_in_dim3A_29 = arith.constant 0.000000e+00 : f32
    %broadcast_in_dim3A_30 = vector.broadcast %broadcast_in_dim3A_29 : f32 to vector<16xf32>
    %broadcast_in_dim3A_31 = arith.constant 0.000000e+00 : f32
    %broadcast_in_dim3A_32 = vector.broadcast %broadcast_in_dim3A_31 : f32 to vector<16xf32>
    %broadcast_in_dim3A_33 = arith.constant 0.000000e+00 : f32
    %broadcast_in_dim3A_34 = vector.broadcast %broadcast_in_dim3A_33 : f32 to vector<16xf32>
    %broadcast_in_dim3A_35 = arith.constant 0.000000e+00 : f32
    %broadcast_in_dim3A_36 = vector.broadcast %broadcast_in_dim3A_35 : f32 to vector<16xf32>
    %broadcast_in_dim3A_37 = arith.constant 0.000000e+00 : f32
    %broadcast_in_dim3A_38 = vector.broadcast %broadcast_in_dim3A_37 : f32 to vector<16xf32>
    %add3A_39 = arith.constant 12800 : i32
    %add3A_40 = arith.addi %add3A_4, %add3A_39 : i32
    %dma_start3A_41 = arith.constant 1 : i32
    %dma_start3A_42 = arith.constant 0 : i32
    %dma_start3A_43 = tpu.memref_slice %arg5[%dma_start3A_41, %dma_start3A_42] : memref<2x12800xf32, #tpu.memory_space<vmem>> -> memref<1x12800xf32, #tpu.memory_space<vmem>>
    %dma_start3A_44 = tpu.memref_squeeze %dma_start3A_43 : memref<1x12800xf32, #tpu.memory_space<vmem>> -> memref<12800xf32, #tpu.memory_space<vmem>>
    %dma_start3A_45 = tpu.memref_slice %arg2[%add3A_40] : memref<12800000xf32, #tpu.memory_space<hbm>> -> memref<12800xf32, #tpu.memory_space<hbm>>
    %dma_start3A_46 = arith.constant 0 : i32
    %dma_start3A_47 = tpu.memref_slice %arg5[%dma_start3A_41, %dma_start3A_46] : memref<2x12800xf32, #tpu.memory_space<vmem>> -> memref<1x12800xf32, #tpu.memory_space<vmem>>
    %dma_start3A_48 = tpu.memref_squeeze %dma_start3A_47 : memref<1x12800xf32, #tpu.memory_space<vmem>> -> memref<12800xf32, #tpu.memory_space<vmem>>
    %dma_start3A_49 = tpu.memref_slice %arg2[%add3A_40] : memref<12800000xf32, #tpu.memory_space<hbm>> -> memref<12800xf32, #tpu.memory_space<hbm>>
    tpu.enqueue_dma source(%dma_start3A_49 : memref<12800xf32, #tpu.memory_space<hbm>>) target(%dma_start3A_48 : memref<12800xf32, #tpu.memory_space<vmem>>) target_semaphore(%arg9 : memref<!tpu.dma_semaphore, #tpu.memory_space<semaphore_mem>>)
    %dma_start3A_50 = arith.constant 1 : i32
    %dma_start3A_51 = arith.constant 0 : i32
    %dma_start3A_52 = tpu.memref_slice %arg6[%dma_start3A_50, %dma_start3A_51] : memref<2x12800xf32, #tpu.memory_space<vmem>> -> memref<1x12800xf32, #tpu.memory_space<vmem>>
    %dma_start3A_53 = tpu.memref_squeeze %dma_start3A_52 : memref<1x12800xf32, #tpu.memory_space<vmem>> -> memref<12800xf32, #tpu.memory_space<vmem>>
    %dma_start3A_54 = tpu.memref_slice %arg3[%add3A_40] : memref<12800000xf32, #tpu.memory_space<hbm>> -> memref<12800xf32, #tpu.memory_space<hbm>>
    %dma_start3A_55 = arith.constant 0 : i32
    %dma_start3A_56 = tpu.memref_slice %arg6[%dma_start3A_50, %dma_start3A_55] : memref<2x12800xf32, #tpu.memory_space<vmem>> -> memref<1x12800xf32, #tpu.memory_space<vmem>>
    %dma_start3A_57 = tpu.memref_squeeze %dma_start3A_56 : memref<1x12800xf32, #tpu.memory_space<vmem>> -> memref<12800xf32, #tpu.memory_space<vmem>>
    %dma_start3A_58 = tpu.memref_slice %arg3[%add3A_40] : memref<12800000xf32, #tpu.memory_space<hbm>> -> memref<12800xf32, #tpu.memory_space<hbm>>
    tpu.enqueue_dma source(%dma_start3A_58 : memref<12800xf32, #tpu.memory_space<hbm>>) target(%dma_start3A_57 : memref<12800xf32, #tpu.memory_space<vmem>>) target_semaphore(%arg11 : memref<!tpu.dma_semaphore, #tpu.memory_space<semaphore_mem>>)
    %add3A_59 = arith.constant 0 : i32
    %add3A_60 = arith.addi %add3A_4, %add3A_59 : i32
    %dma_wait3A = arith.constant 0 : i32
    %dma_wait3A_61 = arith.constant 0 : i32
    %dma_wait3A_62 = tpu.memref_slice %arg5[%dma_wait3A, %dma_wait3A_61] : memref<2x12800xf32, #tpu.memory_space<vmem>> -> memref<1x12800xf32, #tpu.memory_space<vmem>>
    %dma_wait3A_63 = tpu.memref_squeeze %dma_wait3A_62 : memref<1x12800xf32, #tpu.memory_space<vmem>> -> memref<12800xf32, #tpu.memory_space<vmem>>
    %dma_wait3A_64 = tpu.memref_slice %arg2[%add3A_60] : memref<12800000xf32, #tpu.memory_space<hbm>> -> memref<12800xf32, #tpu.memory_space<hbm>>
    %dma_wait3A_65 = arith.constant 0 : i32
    %dma_wait3A_66 = tpu.memref_slice %arg5[%dma_wait3A, %dma_wait3A_65] : memref<2x12800xf32, #tpu.memory_space<vmem>> -> memref<1x12800xf32, #tpu.memory_space<vmem>>
    %dma_wait3A_67 = tpu.memref_squeeze %dma_wait3A_66 : memref<1x12800xf32, #tpu.memory_space<vmem>> -> memref<12800xf32, #tpu.memory_space<vmem>>
    %dma_wait3A_68 = tpu.memref_slice %arg2[%add3A_60] : memref<12800000xf32, #tpu.memory_space<hbm>> -> memref<12800xf32, #tpu.memory_space<hbm>>
    tpu.wait_dma2 semaphore(%arg8 : memref<!tpu.dma_semaphore, #tpu.memory_space<semaphore_mem>>) src(%dma_wait3A_68 : memref<12800xf32, #tpu.memory_space<hbm>>) dst(%dma_wait3A_67 : memref<12800xf32, #tpu.memory_space<vmem>>)
    %dma_wait3A_69 = arith.constant 0 : i32
    %dma_wait3A_70 = arith.constant 0 : i32
    %dma_wait3A_71 = tpu.memref_slice %arg6[%dma_wait3A_69, %dma_wait3A_70] : memref<2x12800xf32, #tpu.memory_space<vmem>> -> memref<1x12800xf32, #tpu.memory_space<vmem>>
    %dma_wait3A_72 = tpu.memref_squeeze %dma_wait3A_71 : memref<1x12800xf32, #tpu.memory_space<vmem>> -> memref<12800xf32, #tpu.memory_space<vmem>>
    %dma_wait3A_73 = tpu.memref_slice %arg3[%add3A_60] : memref<12800000xf32, #tpu.memory_space<hbm>> -> memref<12800xf32, #tpu.memory_space<hbm>>
    %dma_wait3A_74 = arith.constant 0 : i32
    %dma_wait3A_75 = tpu.memref_slice %arg6[%dma_wait3A_69, %dma_wait3A_74] : memref<2x12800xf32, #tpu.memory_space<vmem>> -> memref<1x12800xf32, #tpu.memory_space<vmem>>
    %dma_wait3A_76 = tpu.memref_squeeze %dma_wait3A_75 : memref<1x12800xf32, #tpu.memory_space<vmem>> -> memref<12800xf32, #tpu.memory_space<vmem>>
    %dma_wait3A_77 = tpu.memref_slice %arg3[%add3A_60] : memref<12800000xf32, #tpu.memory_space<hbm>> -> memref<12800xf32, #tpu.memory_space<hbm>>
    tpu.wait_dma2 semaphore(%arg10 : memref<!tpu.dma_semaphore, #tpu.memory_space<semaphore_mem>>) src(%dma_wait3A_77 : memref<12800xf32, #tpu.memory_space<hbm>>) dst(%dma_wait3A_76 : memref<12800xf32, #tpu.memory_space<vmem>>)
    %scan3A = arith.constant 0 : i32
    %scan3A_78 = arith.constant 0 : i32
    %scan3A_79 = arith.constant 0 : i32
    %scan3A_80 = arith.constant 100 : i32
    %scan3A_81 = arith.addi %scan3A_79, %scan3A_80 : i32
    %scan3A_82 = arith.constant 1 : i32
    %scan3A_83:8 = scf.for %scan3A_171 = %scan3A_79 to %scan3A_81 step %scan3A_82 iter_args(%scan3A_172 = %broadcast_in_dim3A_24, %scan3A_173 = %broadcast_in_dim3A_26, %scan3A_174 = %broadcast_in_dim3A_28, %scan3A_175 = %broadcast_in_dim3A_30, %scan3A_176 = %broadcast_in_dim3A_32, %scan3A_177 = %broadcast_in_dim3A_34, %scan3A_178 = %broadcast_in_dim3A_36, %scan3A_179 = %broadcast_in_dim3A_38) -> (vector<16xf32>, vector<16xf32>, vector<16xf32>, vector<16xf32>, vector<16xf32>, vector<16xf32>, vector<16xf32>, vector<16xf32>)  : i32 {
      %mul3A_180 = arith.constant 128 : i32
      %mul3A_181 = arith.muli %scan3A_171, %mul3A_180 : i32
      %add3A_182 = arith.constant 0 : i32
      %add3A_183 = arith.addi %mul3A_181, %add3A_182 : i32
      %get3A = arith.constant 0 : i32
      %get3A_184 = tpu.memref_slice %arg5[%scan3A, %get3A] : memref<2x12800xf32, #tpu.memory_space<vmem>> -> memref<1x12800xf32, #tpu.memory_space<vmem>>
      %get3A_185 = tpu.memref_squeeze %get3A_184 : memref<1x12800xf32, #tpu.memory_space<vmem>> -> memref<12800xf32, #tpu.memory_space<vmem>>
      %get3A_186 = arith.index_cast %add3A_183 : i32 to index
      %get3A_187 = tpu.vector_load %get3A_185[%get3A_186] {strides = array<i32>} : memref<12800xf32, #tpu.memory_space<vmem>>, vector<16xf32>,
      %get3A_188 = vector.shape_cast %get3A_187 : vector<16xf32> to vector<16xf32>
      %get3A_189 = arith.constant 0 : i32
      %get3A_190 = tpu.memref_slice %arg6[%scan3A_78, %get3A_189] : memref<2x12800xf32, #tpu.memory_space<vmem>> -> memref<1x12800xf32, #tpu.memory_space<vmem>>
      %get3A_191 = tpu.memref_squeeze %get3A_190 : memref<1x12800xf32, #tpu.memory_space<vmem>> -> memref<12800xf32, #tpu.memory_space<vmem>>
      %get3A_192 = arith.index_cast %add3A_183 : i32 to index
      %get3A_193 = tpu.vector_load %get3A_191[%get3A_192] {strides = array<i32>} : memref<12800xf32, #tpu.memory_space<vmem>>, vector<16xf32>,
      %get3A_194 = vector.shape_cast %get3A_193 : vector<16xf32> to vector<16xf32>
      %sub3A = arith.subf %get3A_188, %get3A_194 : vector<16xf32>
      %mul3A_195 = arith.mulf %sub3A, %sub3A : vector<16xf32>
      %add3A_196 = arith.addf %scan3A_172, %mul3A_195 : vector<16xf32>
      %add3A_197 = arith.constant 16 : i32
      %add3A_198 = arith.addi %mul3A_181, %add3A_197 : i32
      %get3A_199 = arith.constant 0 : i32
      %get3A_200 = tpu.memref_slice %arg5[%scan3A, %get3A_199] : memref<2x12800xf32, #tpu.memory_space<vmem>> -> memref<1x12800xf32, #tpu.memory_space<vmem>>
      %get3A_201 = tpu.memref_squeeze %get3A_200 : memref<1x12800xf32, #tpu.memory_space<vmem>> -> memref<12800xf32, #tpu.memory_space<vmem>>
      %get3A_202 = arith.index_cast %add3A_198 : i32 to index
      %get3A_203 = tpu.vector_load %get3A_201[%get3A_202] {strides = array<i32>} : memref<12800xf32, #tpu.memory_space<vmem>>, vector<16xf32>,
      %get3A_204 = vector.shape_cast %get3A_203 : vector<16xf32> to vector<16xf32>
      %get3A_205 = arith.constant 0 : i32
      %get3A_206 = tpu.memref_slice %arg6[%scan3A_78, %get3A_205] : memref<2x12800xf32, #tpu.memory_space<vmem>> -> memref<1x12800xf32, #tpu.memory_space<vmem>>
      %get3A_207 = tpu.memref_squeeze %get3A_206 : memref<1x12800xf32, #tpu.memory_space<vmem>> -> memref<12800xf32, #tpu.memory_space<vmem>>
      %get3A_208 = arith.index_cast %add3A_198 : i32 to index
      %get3A_209 = tpu.vector_load %get3A_207[%get3A_208] {strides = array<i32>} : memref<12800xf32, #tpu.memory_space<vmem>>, vector<16xf32>,
      %get3A_210 = vector.shape_cast %get3A_209 : vector<16xf32> to vector<16xf32>
      %sub3A_211 = arith.subf %get3A_204, %get3A_210 : vector<16xf32>
      %mul3A_212 = arith.mulf %sub3A_211, %sub3A_211 : vector<16xf32>
      %add3A_213 = arith.addf %scan3A_173, %mul3A_212 : vector<16xf32>
      %add3A_214 = arith.constant 32 : i32
      %add3A_215 = arith.addi %mul3A_181, %add3A_214 : i32
      %get3A_216 = arith.constant 0 : i32
      %get3A_217 = tpu.memref_slice %arg5[%scan3A, %get3A_216] : memref<2x12800xf32, #tpu.memory_space<vmem>> -> memref<1x12800xf32, #tpu.memory_space<vmem>>
      %get3A_218 = tpu.memref_squeeze %get3A_217 : memref<1x12800xf32, #tpu.memory_space<vmem>> -> memref<12800xf32, #tpu.memory_space<vmem>>
      %get3A_219 = arith.index_cast %add3A_215 : i32 to index
      %get3A_220 = tpu.vector_load %get3A_218[%get3A_219] {strides = array<i32>} : memref<12800xf32, #tpu.memory_space<vmem>>, vector<16xf32>,
      %get3A_221 = vector.shape_cast %get3A_220 : vector<16xf32> to vector<16xf32>
      %get3A_222 = arith.constant 0 : i32
      %get3A_223 = tpu.memref_slice %arg6[%scan3A_78, %get3A_222] : memref<2x12800xf32, #tpu.memory_space<vmem>> -> memref<1x12800xf32, #tpu.memory_space<vmem>>
      %get3A_224 = tpu.memref_squeeze %get3A_223 : memref<1x12800xf32, #tpu.memory_space<vmem>> -> memref<12800xf32, #tpu.memory_space<vmem>>
      %get3A_225 = arith.index_cast %add3A_215 : i32 to index
      %get3A_226 = tpu.vector_load %get3A_224[%get3A_225] {strides = array<i32>} : memref<12800xf32, #tpu.memory_space<vmem>>, vector<16xf32>,
      %get3A_227 = vector.shape_cast %get3A_226 : vector<16xf32> to vector<16xf32>
      %sub3A_228 = arith.subf %get3A_221, %get3A_227 : vector<16xf32>
      %mul3A_229 = arith.mulf %sub3A_228, %sub3A_228 : vector<16xf32>
      %add3A_230 = arith.addf %scan3A_174, %mul3A_229 : vector<16xf32>
      %add3A_231 = arith.constant 48 : i32
      %add3A_232 = arith.addi %mul3A_181, %add3A_231 : i32
      %get3A_233 = arith.constant 0 : i32
      %get3A_234 = tpu.memref_slice %arg5[%scan3A, %get3A_233] : memref<2x12800xf32, #tpu.memory_space<vmem>> -> memref<1x12800xf32, #tpu.memory_space<vmem>>
      %get3A_235 = tpu.memref_squeeze %get3A_234 : memref<1x12800xf32, #tpu.memory_space<vmem>> -> memref<12800xf32, #tpu.memory_space<vmem>>
      %get3A_236 = arith.index_cast %add3A_232 : i32 to index
      %get3A_237 = tpu.vector_load %get3A_235[%get3A_236] {strides = array<i32>} : memref<12800xf32, #tpu.memory_space<vmem>>, vector<16xf32>,
      %get3A_238 = vector.shape_cast %get3A_237 : vector<16xf32> to vector<16xf32>
      %get3A_239 = arith.constant 0 : i32
      %get3A_240 = tpu.memref_slice %arg6[%scan3A_78, %get3A_239] : memref<2x12800xf32, #tpu.memory_space<vmem>> -> memref<1x12800xf32, #tpu.memory_space<vmem>>
      %get3A_241 = tpu.memref_squeeze %get3A_240 : memref<1x12800xf32, #tpu.memory_space<vmem>> -> memref<12800xf32, #tpu.memory_space<vmem>>
      %get3A_242 = arith.index_cast %add3A_232 : i32 to index
      %get3A_243 = tpu.vector_load %get3A_241[%get3A_242] {strides = array<i32>} : memref<12800xf32, #tpu.memory_space<vmem>>, vector<16xf32>,
      %get3A_244 = vector.shape_cast %get3A_243 : vector<16xf32> to vector<16xf32>
      %sub3A_245 = arith.subf %get3A_238, %get3A_244 : vector<16xf32>
      %mul3A_246 = arith.mulf %sub3A_245, %sub3A_245 : vector<16xf32>
      %add3A_247 = arith.addf %scan3A_175, %mul3A_246 : vector<16xf32>
      %add3A_248 = arith.constant 64 : i32
      %add3A_249 = arith.addi %mul3A_181, %add3A_248 : i32
      %get3A_250 = arith.constant 0 : i32
      %get3A_251 = tpu.memref_slice %arg5[%scan3A, %get3A_250] : memref<2x12800xf32, #tpu.memory_space<vmem>> -> memref<1x12800xf32, #tpu.memory_space<vmem>>
      %get3A_252 = tpu.memref_squeeze %get3A_251 : memref<1x12800xf32, #tpu.memory_space<vmem>> -> memref<12800xf32, #tpu.memory_space<vmem>>
      %get3A_253 = arith.index_cast %add3A_249 : i32 to index
      %get3A_254 = tpu.vector_load %get3A_252[%get3A_253] {strides = array<i32>} : memref<12800xf32, #tpu.memory_space<vmem>>, vector<16xf32>,
      %get3A_255 = vector.shape_cast %get3A_254 : vector<16xf32> to vector<16xf32>
      %get3A_256 = arith.constant 0 : i32
      %get3A_257 = tpu.memref_slice %arg6[%scan3A_78, %get3A_256] : memref<2x12800xf32, #tpu.memory_space<vmem>> -> memref<1x12800xf32, #tpu.memory_space<vmem>>
      %get3A_258 = tpu.memref_squeeze %get3A_257 : memref<1x12800xf32, #tpu.memory_space<vmem>> -> memref<12800xf32, #tpu.memory_space<vmem>>
      %get3A_259 = arith.index_cast %add3A_249 : i32 to index
      %get3A_260 = tpu.vector_load %get3A_258[%get3A_259] {strides = array<i32>} : memref<12800xf32, #tpu.memory_space<vmem>>, vector<16xf32>,
      %get3A_261 = vector.shape_cast %get3A_260 : vector<16xf32> to vector<16xf32>
      %sub3A_262 = arith.subf %get3A_255, %get3A_261 : vector<16xf32>
      %mul3A_263 = arith.mulf %sub3A_262, %sub3A_262 : vector<16xf32>
      %add3A_264 = arith.addf %scan3A_176, %mul3A_263 : vector<16xf32>
      %add3A_265 = arith.constant 80 : i32
      %add3A_266 = arith.addi %mul3A_181, %add3A_265 : i32
      %get3A_267 = arith.constant 0 : i32
      %get3A_268 = tpu.memref_slice %arg5[%scan3A, %get3A_267] : memref<2x12800xf32, #tpu.memory_space<vmem>> -> memref<1x12800xf32, #tpu.memory_space<vmem>>
      %get3A_269 = tpu.memref_squeeze %get3A_268 : memref<1x12800xf32, #tpu.memory_space<vmem>> -> memref<12800xf32, #tpu.memory_space<vmem>>
      %get3A_270 = arith.index_cast %add3A_266 : i32 to index
      %get3A_271 = tpu.vector_load %get3A_269[%get3A_270] {strides = array<i32>} : memref<12800xf32, #tpu.memory_space<vmem>>, vector<16xf32>,
      %get3A_272 = vector.shape_cast %get3A_271 : vector<16xf32> to vector<16xf32>
      %get3A_273 = arith.constant 0 : i32
      %get3A_274 = tpu.memref_slice %arg6[%scan3A_78, %get3A_273] : memref<2x12800xf32, #tpu.memory_space<vmem>> -> memref<1x12800xf32, #tpu.memory_space<vmem>>
      %get3A_275 = tpu.memref_squeeze %get3A_274 : memref<1x12800xf32, #tpu.memory_space<vmem>> -> memref<12800xf32, #tpu.memory_space<vmem>>
      %get3A_276 = arith.index_cast %add3A_266 : i32 to index
      %get3A_277 = tpu.vector_load %get3A_275[%get3A_276] {strides = array<i32>} : memref<12800xf32, #tpu.memory_space<vmem>>, vector<16xf32>,
      %get3A_278 = vector.shape_cast %get3A_277 : vector<16xf32> to vector<16xf32>
      %sub3A_279 = arith.subf %get3A_272, %get3A_278 : vector<16xf32>
      %mul3A_280 = arith.mulf %sub3A_279, %sub3A_279 : vector<16xf32>
      %add3A_281 = arith.addf %scan3A_177, %mul3A_280 : vector<16xf32>
      %add3A_282 = arith.constant 96 : i32
      %add3A_283 = arith.addi %mul3A_181, %add3A_282 : i32
      %get3A_284 = arith.constant 0 : i32
      %get3A_285 = tpu.memref_slice %arg5[%scan3A, %get3A_284] : memref<2x12800xf32, #tpu.memory_space<vmem>> -> memref<1x12800xf32, #tpu.memory_space<vmem>>
      %get3A_286 = tpu.memref_squeeze %get3A_285 : memref<1x12800xf32, #tpu.memory_space<vmem>> -> memref<12800xf32, #tpu.memory_space<vmem>>
      %get3A_287 = arith.index_cast %add3A_283 : i32 to index
      %get3A_288 = tpu.vector_load %get3A_286[%get3A_287] {strides = array<i32>} : memref<12800xf32, #tpu.memory_space<vmem>>, vector<16xf32>,
      %get3A_289 = vector.shape_cast %get3A_288 : vector<16xf32> to vector<16xf32>
      %get3A_290 = arith.constant 0 : i32
      %get3A_291 = tpu.memref_slice %arg6[%scan3A_78, %get3A_290] : memref<2x12800xf32, #tpu.memory_space<vmem>> -> memref<1x12800xf32, #tpu.memory_space<vmem>>
      %get3A_292 = tpu.memref_squeeze %get3A_291 : memref<1x12800xf32, #tpu.memory_space<vmem>> -> memref<12800xf32, #tpu.memory_space<vmem>>
      %get3A_293 = arith.index_cast %add3A_283 : i32 to index
      %get3A_294 = tpu.vector_load %get3A_292[%get3A_293] {strides = array<i32>} : memref<12800xf32, #tpu.memory_space<vmem>>, vector<16xf32>,
      %get3A_295 = vector.shape_cast %get3A_294 : vector<16xf32> to vector<16xf32>
      %sub3A_296 = arith.subf %get3A_289, %get3A_295 : vector<16xf32>
      %mul3A_297 = arith.mulf %sub3A_296, %sub3A_296 : vector<16xf32>
      %add3A_298 = arith.addf %scan3A_178, %mul3A_297 : vector<16xf32>
      %add3A_299 = arith.constant 112 : i32
      %add3A_300 = arith.addi %mul3A_181, %add3A_299 : i32
      %get3A_301 = arith.constant 0 : i32
      %get3A_302 = tpu.memref_slice %arg5[%scan3A, %get3A_301] : memref<2x12800xf32, #tpu.memory_space<vmem>> -> memref<1x12800xf32, #tpu.memory_space<vmem>>
      %get3A_303 = tpu.memref_squeeze %get3A_302 : memref<1x12800xf32, #tpu.memory_space<vmem>> -> memref<12800xf32, #tpu.memory_space<vmem>>
      %get3A_304 = arith.index_cast %add3A_300 : i32 to index
      %get3A_305 = tpu.vector_load %get3A_303[%get3A_304] {strides = array<i32>} : memref<12800xf32, #tpu.memory_space<vmem>>, vector<16xf32>,
      %get3A_306 = vector.shape_cast %get3A_305 : vector<16xf32> to vector<16xf32>
      %get3A_307 = arith.constant 0 : i32
      %get3A_308 = tpu.memref_slice %arg6[%scan3A_78, %get3A_307] : memref<2x12800xf32, #tpu.memory_space<vmem>> -> memref<1x12800xf32, #tpu.memory_space<vmem>>
      %get3A_309 = tpu.memref_squeeze %get3A_308 : memref<1x12800xf32, #tpu.memory_space<vmem>> -> memref<12800xf32, #tpu.memory_space<vmem>>
      %get3A_310 = arith.index_cast %add3A_300 : i32 to index
      %get3A_311 = tpu.vector_load %get3A_309[%get3A_310] {strides = array<i32>} : memref<12800xf32, #tpu.memory_space<vmem>>, vector<16xf32>,
      %get3A_312 = vector.shape_cast %get3A_311 : vector<16xf32> to vector<16xf32>
      %sub3A_313 = arith.subf %get3A_306, %get3A_312 : vector<16xf32>
      %mul3A_314 = arith.mulf %sub3A_313, %sub3A_313 : vector<16xf32>
      %add3A_315 = arith.addf %scan3A_179, %mul3A_314 : vector<16xf32>
      scf.yield %add3A_196, %add3A_213, %add3A_230, %add3A_247, %add3A_264, %add3A_281, %add3A_298, %add3A_315 : vector<16xf32>, vector<16xf32>, vector<16xf32>, vector<16xf32>, vector<16xf32>, vector<16xf32>, vector<16xf32>, vector<16xf32>
    }
    %scan3A_84 = arith.constant 100 : i32
    %add3A_85 = arith.constant 25600 : i32
    %add3A_86 = arith.addi %add3A_4, %add3A_85 : i32
    %dma_start3A_87 = arith.constant 0 : i32
    %dma_start3A_88 = arith.constant 0 : i32
    %dma_start3A_89 = tpu.memref_slice %arg5[%dma_start3A_87, %dma_start3A_88] : memref<2x12800xf32, #tpu.memory_space<vmem>> -> memref<1x12800xf32, #tpu.memory_space<vmem>>
    %dma_start3A_90 = tpu.memref_squeeze %dma_start3A_89 : memref<1x12800xf32, #tpu.memory_space<vmem>> -> memref<12800xf32, #tpu.memory_space<vmem>>
    %dma_start3A_91 = tpu.memref_slice %arg2[%add3A_86] : memref<12800000xf32, #tpu.memory_space<hbm>> -> memref<12800xf32, #tpu.memory_space<hbm>>
    %dma_start3A_92 = arith.constant 0 : i32
    %dma_start3A_93 = tpu.memref_slice %arg5[%dma_start3A_87, %dma_start3A_92] : memref<2x12800xf32, #tpu.memory_space<vmem>> -> memref<1x12800xf32, #tpu.memory_space<vmem>>
    %dma_start3A_94 = tpu.memref_squeeze %dma_start3A_93 : memref<1x12800xf32, #tpu.memory_space<vmem>> -> memref<12800xf32, #tpu.memory_space<vmem>>
    %dma_start3A_95 = tpu.memref_slice %arg2[%add3A_86] : memref<12800000xf32, #tpu.memory_space<hbm>> -> memref<12800xf32, #tpu.memory_space<hbm>>
    tpu.enqueue_dma source(%dma_start3A_95 : memref<12800xf32, #tpu.memory_space<hbm>>) target(%dma_start3A_94 : memref<12800xf32, #tpu.memory_space<vmem>>) target_semaphore(%arg8 : memref<!tpu.dma_semaphore, #tpu.memory_space<semaphore_mem>>)
    %dma_start3A_96 = arith.constant 0 : i32
    %dma_start3A_97 = arith.constant 0 : i32
    %dma_start3A_98 = tpu.memref_slice %arg6[%dma_start3A_96, %dma_start3A_97] : memref<2x12800xf32, #tpu.memory_space<vmem>> -> memref<1x12800xf32, #tpu.memory_space<vmem>>
    %dma_start3A_99 = tpu.memref_squeeze %dma_start3A_98 : memref<1x12800xf32, #tpu.memory_space<vmem>> -> memref<12800xf32, #tpu.memory_space<vmem>>
    %dma_start3A_100 = tpu.memref_slice %arg3[%add3A_86] : memref<12800000xf32, #tpu.memory_space<hbm>> -> memref<12800xf32, #tpu.memory_space<hbm>>
    %dma_start3A_101 = arith.constant 0 : i32
    %dma_start3A_102 = tpu.memref_slice %arg6[%dma_start3A_96, %dma_start3A_101] : memref<2x12800xf32, #tpu.memory_space<vmem>> -> memref<1x12800xf32, #tpu.memory_space<vmem>>
    %dma_start3A_103 = tpu.memref_squeeze %dma_start3A_102 : memref<1x12800xf32, #tpu.memory_space<vmem>> -> memref<12800xf32, #tpu.memory_space<vmem>>
    %dma_start3A_104 = tpu.memref_slice %arg3[%add3A_86] : memref<12800000xf32, #tpu.memory_space<hbm>> -> memref<12800xf32, #tpu.memory_space<hbm>>
    tpu.enqueue_dma source(%dma_start3A_104 : memref<12800xf32, #tpu.memory_space<hbm>>) target(%dma_start3A_103 : memref<12800xf32, #tpu.memory_space<vmem>>) target_semaphore(%arg10 : memref<!tpu.dma_semaphore, #tpu.memory_space<semaphore_mem>>)
    %add3A_105 = arith.constant 12800 : i32
    %add3A_106 = arith.addi %add3A_4, %add3A_105 : i32
    %dma_wait3A_107 = arith.constant 1 : i32
    %dma_wait3A_108 = arith.constant 0 : i32
    %dma_wait3A_109 = tpu.memref_slice %arg5[%dma_wait3A_107, %dma_wait3A_108] : memref<2x12800xf32, #tpu.memory_space<vmem>> -> memref<1x12800xf32, #tpu.memory_space<vmem>>
    %dma_wait3A_110 = tpu.memref_squeeze %dma_wait3A_109 : memref<1x12800xf32, #tpu.memory_space<vmem>> -> memref<12800xf32, #tpu.memory_space<vmem>>
    %dma_wait3A_111 = tpu.memref_slice %arg2[%add3A_106] : memref<12800000xf32, #tpu.memory_space<hbm>> -> memref<12800xf32, #tpu.memory_space<hbm>>
    %dma_wait3A_112 = arith.constant 0 : i32
    %dma_wait3A_113 = tpu.memref_slice %arg5[%dma_wait3A_107, %dma_wait3A_112] : memref<2x12800xf32, #tpu.memory_space<vmem>> -> memref<1x12800xf32, #tpu.memory_space<vmem>>
    %dma_wait3A_114 = tpu.memref_squeeze %dma_wait3A_113 : memref<1x12800xf32, #tpu.memory_space<vmem>> -> memref<12800xf32, #tpu.memory_space<vmem>>
    %dma_wait3A_115 = tpu.memref_slice %arg2[%add3A_106] : memref<12800000xf32, #tpu.memory_space<hbm>> -> memref<12800xf32, #tpu.memory_space<hbm>>
    tpu.wait_dma2 semaphore(%arg9 : memref<!tpu.dma_semaphore, #tpu.memory_space<semaphore_mem>>) src(%dma_wait3A_115 : memref<12800xf32, #tpu.memory_space<hbm>>) dst(%dma_wait3A_114 : memref<12800xf32, #tpu.memory_space<vmem>>)
    %dma_wait3A_116 = arith.constant 1 : i32
    %dma_wait3A_117 = arith.constant 0 : i32
    %dma_wait3A_118 = tpu.memref_slice %arg6[%dma_wait3A_116, %dma_wait3A_117] : memref<2x12800xf32, #tpu.memory_space<vmem>> -> memref<1x12800xf32, #tpu.memory_space<vmem>>
    %dma_wait3A_119 = tpu.memref_squeeze %dma_wait3A_118 : memref<1x12800xf32, #tpu.memory_space<vmem>> -> memref<12800xf32, #tpu.memory_space<vmem>>
    %dma_wait3A_120 = tpu.memref_slice %arg3[%add3A_106] : memref<12800000xf32, #tpu.memory_space<hbm>> -> memref<12800xf32, #tpu.memory_space<hbm>>
    %dma_wait3A_121 = arith.constant 0 : i32
    %dma_wait3A_122 = tpu.memref_slice %arg6[%dma_wait3A_116, %dma_wait3A_121] : memref<2x12800xf32, #tpu.memory_space<vmem>> -> memref<1x12800xf32, #tpu.memory_space<vmem>>
    %dma_wait3A_123 = tpu.memref_squeeze %dma_wait3A_122 : memref<1x12800xf32, #tpu.memory_space<vmem>> -> memref<12800xf32, #tpu.memory_space<vmem>>
    %dma_wait3A_124 = tpu.memref_slice %arg3[%add3A_106] : memref<12800000xf32, #tpu.memory_space<hbm>> -> memref<12800xf32, #tpu.memory_space<hbm>>
    tpu.wait_dma2 semaphore(%arg11 : memref<!tpu.dma_semaphore, #tpu.memory_space<semaphore_mem>>) src(%dma_wait3A_124 : memref<12800xf32, #tpu.memory_space<hbm>>) dst(%dma_wait3A_123 : memref<12800xf32, #tpu.memory_space<vmem>>)
    %scan3A_125 = arith.constant 1 : i32
    %scan3A_126 = arith.constant 1 : i32
    %scan3A_127 = arith.constant 0 : i32
    %scan3A_128 = arith.constant 100 : i32
    %scan3A_129 = arith.addi %scan3A_127, %scan3A_128 : i32
    %scan3A_130 = arith.constant 1 : i32
    %scan3A_131:8 = scf.for %scan3A_171 = %scan3A_127 to %scan3A_129 step %scan3A_130 iter_args(%scan3A_172 = %scan3A_83#0, %scan3A_173 = %scan3A_83#1, %scan3A_174 = %scan3A_83#2, %scan3A_175 = %scan3A_83#3, %scan3A_176 = %scan3A_83#4, %scan3A_177 = %scan3A_83#5, %scan3A_178 = %scan3A_83#6, %scan3A_179 = %scan3A_83#7) -> (vector<16xf32>, vector<16xf32>, vector<16xf32>, vector<16xf32>, vector<16xf32>, vector<16xf32>, vector<16xf32>, vector<16xf32>)  : i32 {
      %mul3A_180 = arith.constant 128 : i32
      %mul3A_181 = arith.muli %scan3A_171, %mul3A_180 : i32
      %add3A_182 = arith.constant 0 : i32
      %add3A_183 = arith.addi %mul3A_181, %add3A_182 : i32
      %get3A = arith.constant 0 : i32
      %get3A_184 = tpu.memref_slice %arg5[%scan3A_125, %get3A] : memref<2x12800xf32, #tpu.memory_space<vmem>> -> memref<1x12800xf32, #tpu.memory_space<vmem>>
      %get3A_185 = tpu.memref_squeeze %get3A_184 : memref<1x12800xf32, #tpu.memory_space<vmem>> -> memref<12800xf32, #tpu.memory_space<vmem>>
      %get3A_186 = arith.index_cast %add3A_183 : i32 to index
      %get3A_187 = tpu.vector_load %get3A_185[%get3A_186] {strides = array<i32>} : memref<12800xf32, #tpu.memory_space<vmem>>, vector<16xf32>,
      %get3A_188 = vector.shape_cast %get3A_187 : vector<16xf32> to vector<16xf32>
      %get3A_189 = arith.constant 0 : i32
      %get3A_190 = tpu.memref_slice %arg6[%scan3A_126, %get3A_189] : memref<2x12800xf32, #tpu.memory_space<vmem>> -> memref<1x12800xf32, #tpu.memory_space<vmem>>
      %get3A_191 = tpu.memref_squeeze %get3A_190 : memref<1x12800xf32, #tpu.memory_space<vmem>> -> memref<12800xf32, #tpu.memory_space<vmem>>
      %get3A_192 = arith.index_cast %add3A_183 : i32 to index
      %get3A_193 = tpu.vector_load %get3A_191[%get3A_192] {strides = array<i32>} : memref<12800xf32, #tpu.memory_space<vmem>>, vector<16xf32>,
      %get3A_194 = vector.shape_cast %get3A_193 : vector<16xf32> to vector<16xf32>
      %sub3A = arith.subf %get3A_188, %get3A_194 : vector<16xf32>
      %mul3A_195 = arith.mulf %sub3A, %sub3A : vector<16xf32>
      %add3A_196 = arith.addf %scan3A_172, %mul3A_195 : vector<16xf32>
      %add3A_197 = arith.constant 16 : i32
      %add3A_198 = arith.addi %mul3A_181, %add3A_197 : i32
      %get3A_199 = arith.constant 0 : i32
      %get3A_200 = tpu.memref_slice %arg5[%scan3A_125, %get3A_199] : memref<2x12800xf32, #tpu.memory_space<vmem>> -> memref<1x12800xf32, #tpu.memory_space<vmem>>
      %get3A_201 = tpu.memref_squeeze %get3A_200 : memref<1x12800xf32, #tpu.memory_space<vmem>> -> memref<12800xf32, #tpu.memory_space<vmem>>
      %get3A_202 = arith.index_cast %add3A_198 : i32 to index
      %get3A_203 = tpu.vector_load %get3A_201[%get3A_202] {strides = array<i32>} : memref<12800xf32, #tpu.memory_space<vmem>>, vector<16xf32>,
      %get3A_204 = vector.shape_cast %get3A_203 : vector<16xf32> to vector<16xf32>
      %get3A_205 = arith.constant 0 : i32
      %get3A_206 = tpu.memref_slice %arg6[%scan3A_126, %get3A_205] : memref<2x12800xf32, #tpu.memory_space<vmem>> -> memref<1x12800xf32, #tpu.memory_space<vmem>>
      %get3A_207 = tpu.memref_squeeze %get3A_206 : memref<1x12800xf32, #tpu.memory_space<vmem>> -> memref<12800xf32, #tpu.memory_space<vmem>>
      %get3A_208 = arith.index_cast %add3A_198 : i32 to index
      %get3A_209 = tpu.vector_load %get3A_207[%get3A_208] {strides = array<i32>} : memref<12800xf32, #tpu.memory_space<vmem>>, vector<16xf32>,
      %get3A_210 = vector.shape_cast %get3A_209 : vector<16xf32> to vector<16xf32>
      %sub3A_211 = arith.subf %get3A_204, %get3A_210 : vector<16xf32>
      %mul3A_212 = arith.mulf %sub3A_211, %sub3A_211 : vector<16xf32>
      %add3A_213 = arith.addf %scan3A_173, %mul3A_212 : vector<16xf32>
      %add3A_214 = arith.constant 32 : i32
      %add3A_215 = arith.addi %mul3A_181, %add3A_214 : i32
      %get3A_216 = arith.constant 0 : i32
      %get3A_217 = tpu.memref_slice %arg5[%scan3A_125, %get3A_216] : memref<2x12800xf32, #tpu.memory_space<vmem>> -> memref<1x12800xf32, #tpu.memory_space<vmem>>
      %get3A_218 = tpu.memref_squeeze %get3A_217 : memref<1x12800xf32, #tpu.memory_space<vmem>> -> memref<12800xf32, #tpu.memory_space<vmem>>
      %get3A_219 = arith.index_cast %add3A_215 : i32 to index
      %get3A_220 = tpu.vector_load %get3A_218[%get3A_219] {strides = array<i32>} : memref<12800xf32, #tpu.memory_space<vmem>>, vector<16xf32>,
      %get3A_221 = vector.shape_cast %get3A_220 : vector<16xf32> to vector<16xf32>
      %get3A_222 = arith.constant 0 : i32
      %get3A_223 = tpu.memref_slice %arg6[%scan3A_126, %get3A_222] : memref<2x12800xf32, #tpu.memory_space<vmem>> -> memref<1x12800xf32, #tpu.memory_space<vmem>>
      %get3A_224 = tpu.memref_squeeze %get3A_223 : memref<1x12800xf32, #tpu.memory_space<vmem>> -> memref<12800xf32, #tpu.memory_space<vmem>>
      %get3A_225 = arith.index_cast %add3A_215 : i32 to index
      %get3A_226 = tpu.vector_load %get3A_224[%get3A_225] {strides = array<i32>} : memref<12800xf32, #tpu.memory_space<vmem>>, vector<16xf32>,
      %get3A_227 = vector.shape_cast %get3A_226 : vector<16xf32> to vector<16xf32>
      %sub3A_228 = arith.subf %get3A_221, %get3A_227 : vector<16xf32>
      %mul3A_229 = arith.mulf %sub3A_228, %sub3A_228 : vector<16xf32>
      %add3A_230 = arith.addf %scan3A_174, %mul3A_229 : vector<16xf32>
      %add3A_231 = arith.constant 48 : i32
      %add3A_232 = arith.addi %mul3A_181, %add3A_231 : i32
      %get3A_233 = arith.constant 0 : i32
      %get3A_234 = tpu.memref_slice %arg5[%scan3A_125, %get3A_233] : memref<2x12800xf32, #tpu.memory_space<vmem>> -> memref<1x12800xf32, #tpu.memory_space<vmem>>
      %get3A_235 = tpu.memref_squeeze %get3A_234 : memref<1x12800xf32, #tpu.memory_space<vmem>> -> memref<12800xf32, #tpu.memory_space<vmem>>
      %get3A_236 = arith.index_cast %add3A_232 : i32 to index
      %get3A_237 = tpu.vector_load %get3A_235[%get3A_236] {strides = array<i32>} : memref<12800xf32, #tpu.memory_space<vmem>>, vector<16xf32>,
      %get3A_238 = vector.shape_cast %get3A_237 : vector<16xf32> to vector<16xf32>
      %get3A_239 = arith.constant 0 : i32
      %get3A_240 = tpu.memref_slice %arg6[%scan3A_126, %get3A_239] : memref<2x12800xf32, #tpu.memory_space<vmem>> -> memref<1x12800xf32, #tpu.memory_space<vmem>>
      %get3A_241 = tpu.memref_squeeze %get3A_240 : memref<1x12800xf32, #tpu.memory_space<vmem>> -> memref<12800xf32, #tpu.memory_space<vmem>>
      %get3A_242 = arith.index_cast %add3A_232 : i32 to index
      %get3A_243 = tpu.vector_load %get3A_241[%get3A_242] {strides = array<i32>} : memref<12800xf32, #tpu.memory_space<vmem>>, vector<16xf32>,
      %get3A_244 = vector.shape_cast %get3A_243 : vector<16xf32> to vector<16xf32>
      %sub3A_245 = arith.subf %get3A_238, %get3A_244 : vector<16xf32>
      %mul3A_246 = arith.mulf %sub3A_245, %sub3A_245 : vector<16xf32>
      %add3A_247 = arith.addf %scan3A_175, %mul3A_246 : vector<16xf32>
      %add3A_248 = arith.constant 64 : i32
      %add3A_249 = arith.addi %mul3A_181, %add3A_248 : i32
      %get3A_250 = arith.constant 0 : i32
      %get3A_251 = tpu.memref_slice %arg5[%scan3A_125, %get3A_250] : memref<2x12800xf32, #tpu.memory_space<vmem>> -> memref<1x12800xf32, #tpu.memory_space<vmem>>
      %get3A_252 = tpu.memref_squeeze %get3A_251 : memref<1x12800xf32, #tpu.memory_space<vmem>> -> memref<12800xf32, #tpu.memory_space<vmem>>
      %get3A_253 = arith.index_cast %add3A_249 : i32 to index
      %get3A_254 = tpu.vector_load %get3A_252[%get3A_253] {strides = array<i32>} : memref<12800xf32, #tpu.memory_space<vmem>>, vector<16xf32>,
      %get3A_255 = vector.shape_cast %get3A_254 : vector<16xf32> to vector<16xf32>
      %get3A_256 = arith.constant 0 : i32
      %get3A_257 = tpu.memref_slice %arg6[%scan3A_126, %get3A_256] : memref<2x12800xf32, #tpu.memory_space<vmem>> -> memref<1x12800xf32, #tpu.memory_space<vmem>>
      %get3A_258 = tpu.memref_squeeze %get3A_257 : memref<1x12800xf32, #tpu.memory_space<vmem>> -> memref<12800xf32, #tpu.memory_space<vmem>>
      %get3A_259 = arith.index_cast %add3A_249 : i32 to index
      %get3A_260 = tpu.vector_load %get3A_258[%get3A_259] {strides = array<i32>} : memref<12800xf32, #tpu.memory_space<vmem>>, vector<16xf32>,
      %get3A_261 = vector.shape_cast %get3A_260 : vector<16xf32> to vector<16xf32>
      %sub3A_262 = arith.subf %get3A_255, %get3A_261 : vector<16xf32>
      %mul3A_263 = arith.mulf %sub3A_262, %sub3A_262 : vector<16xf32>
      %add3A_264 = arith.addf %scan3A_176, %mul3A_263 : vector<16xf32>
      %add3A_265 = arith.constant 80 : i32
      %add3A_266 = arith.addi %mul3A_181, %add3A_265 : i32
      %get3A_267 = arith.constant 0 : i32
      %get3A_268 = tpu.memref_slice %arg5[%scan3A_125, %get3A_267] : memref<2x12800xf32, #tpu.memory_space<vmem>> -> memref<1x12800xf32, #tpu.memory_space<vmem>>
      %get3A_269 = tpu.memref_squeeze %get3A_268 : memref<1x12800xf32, #tpu.memory_space<vmem>> -> memref<12800xf32, #tpu.memory_space<vmem>>
      %get3A_270 = arith.index_cast %add3A_266 : i32 to index
      %get3A_271 = tpu.vector_load %get3A_269[%get3A_270] {strides = array<i32>} : memref<12800xf32, #tpu.memory_space<vmem>>, vector<16xf32>,
      %get3A_272 = vector.shape_cast %get3A_271 : vector<16xf32> to vector<16xf32>
      %get3A_273 = arith.constant 0 : i32
      %get3A_274 = tpu.memref_slice %arg6[%scan3A_126, %get3A_273] : memref<2x12800xf32, #tpu.memory_space<vmem>> -> memref<1x12800xf32, #tpu.memory_space<vmem>>
      %get3A_275 = tpu.memref_squeeze %get3A_274 : memref<1x12800xf32, #tpu.memory_space<vmem>> -> memref<12800xf32, #tpu.memory_space<vmem>>
      %get3A_276 = arith.index_cast %add3A_266 : i32 to index
      %get3A_277 = tpu.vector_load %get3A_275[%get3A_276] {strides = array<i32>} : memref<12800xf32, #tpu.memory_space<vmem>>, vector<16xf32>,
      %get3A_278 = vector.shape_cast %get3A_277 : vector<16xf32> to vector<16xf32>
      %sub3A_279 = arith.subf %get3A_272, %get3A_278 : vector<16xf32>
      %mul3A_280 = arith.mulf %sub3A_279, %sub3A_279 : vector<16xf32>
      %add3A_281 = arith.addf %scan3A_177, %mul3A_280 : vector<16xf32>
      %add3A_282 = arith.constant 96 : i32
      %add3A_283 = arith.addi %mul3A_181, %add3A_282 : i32
      %get3A_284 = arith.constant 0 : i32
      %get3A_285 = tpu.memref_slice %arg5[%scan3A_125, %get3A_284] : memref<2x12800xf32, #tpu.memory_space<vmem>> -> memref<1x12800xf32, #tpu.memory_space<vmem>>
      %get3A_286 = tpu.memref_squeeze %get3A_285 : memref<1x12800xf32, #tpu.memory_space<vmem>> -> memref<12800xf32, #tpu.memory_space<vmem>>
      %get3A_287 = arith.index_cast %add3A_283 : i32 to index
      %get3A_288 = tpu.vector_load %get3A_286[%get3A_287] {strides = array<i32>} : memref<12800xf32, #tpu.memory_space<vmem>>, vector<16xf32>,
      %get3A_289 = vector.shape_cast %get3A_288 : vector<16xf32> to vector<16xf32>
      %get3A_290 = arith.constant 0 : i32
      %get3A_291 = tpu.memref_slice %arg6[%scan3A_126, %get3A_290] : memref<2x12800xf32, #tpu.memory_space<vmem>> -> memref<1x12800xf32, #tpu.memory_space<vmem>>
      %get3A_292 = tpu.memref_squeeze %get3A_291 : memref<1x12800xf32, #tpu.memory_space<vmem>> -> memref<12800xf32, #tpu.memory_space<vmem>>
      %get3A_293 = arith.index_cast %add3A_283 : i32 to index
      %get3A_294 = tpu.vector_load %get3A_292[%get3A_293] {strides = array<i32>} : memref<12800xf32, #tpu.memory_space<vmem>>, vector<16xf32>,
      %get3A_295 = vector.shape_cast %get3A_294 : vector<16xf32> to vector<16xf32>
      %sub3A_296 = arith.subf %get3A_289, %get3A_295 : vector<16xf32>
      %mul3A_297 = arith.mulf %sub3A_296, %sub3A_296 : vector<16xf32>
      %add3A_298 = arith.addf %scan3A_178, %mul3A_297 : vector<16xf32>
      %add3A_299 = arith.constant 112 : i32
      %add3A_300 = arith.addi %mul3A_181, %add3A_299 : i32
      %get3A_301 = arith.constant 0 : i32
      %get3A_302 = tpu.memref_slice %arg5[%scan3A_125, %get3A_301] : memref<2x12800xf32, #tpu.memory_space<vmem>> -> memref<1x12800xf32, #tpu.memory_space<vmem>>
      %get3A_303 = tpu.memref_squeeze %get3A_302 : memref<1x12800xf32, #tpu.memory_space<vmem>> -> memref<12800xf32, #tpu.memory_space<vmem>>
      %get3A_304 = arith.index_cast %add3A_300 : i32 to index
      %get3A_305 = tpu.vector_load %get3A_303[%get3A_304] {strides = array<i32>} : memref<12800xf32, #tpu.memory_space<vmem>>, vector<16xf32>,
      %get3A_306 = vector.shape_cast %get3A_305 : vector<16xf32> to vector<16xf32>
      %get3A_307 = arith.constant 0 : i32
      %get3A_308 = tpu.memref_slice %arg6[%scan3A_126, %get3A_307] : memref<2x12800xf32, #tpu.memory_space<vmem>> -> memref<1x12800xf32, #tpu.memory_space<vmem>>
      %get3A_309 = tpu.memref_squeeze %get3A_308 : memref<1x12800xf32, #tpu.memory_space<vmem>> -> memref<12800xf32, #tpu.memory_space<vmem>>
      %get3A_310 = arith.index_cast %add3A_300 : i32 to index
      %get3A_311 = tpu.vector_load %get3A_309[%get3A_310] {strides = array<i32>} : memref<12800xf32, #tpu.memory_space<vmem>>, vector<16xf32>,
      %get3A_312 = vector.shape_cast %get3A_311 : vector<16xf32> to vector<16xf32>
      %sub3A_313 = arith.subf %get3A_306, %get3A_312 : vector<16xf32>
      %mul3A_314 = arith.mulf %sub3A_313, %sub3A_313 : vector<16xf32>
      %add3A_315 = arith.addf %scan3A_179, %mul3A_314 : vector<16xf32>
      scf.yield %add3A_196, %add3A_213, %add3A_230, %add3A_247, %add3A_264, %add3A_281, %add3A_298, %add3A_315 : vector<16xf32>, vector<16xf32>, vector<16xf32>, vector<16xf32>, vector<16xf32>, vector<16xf32>, vector<16xf32>, vector<16xf32>
    }
    %scan3A_132 = arith.constant 100 : i32
    %add3A_133 = arith.constant 25600 : i32
    %add3A_134 = arith.addi %add3A_4, %add3A_133 : i32
    %dma_wait3A_135 = arith.constant 0 : i32
    %dma_wait3A_136 = arith.constant 0 : i32
    %dma_wait3A_137 = tpu.memref_slice %arg5[%dma_wait3A_135, %dma_wait3A_136] : memref<2x12800xf32, #tpu.memory_space<vmem>> -> memref<1x12800xf32, #tpu.memory_space<vmem>>
    %dma_wait3A_138 = tpu.memref_squeeze %dma_wait3A_137 : memref<1x12800xf32, #tpu.memory_space<vmem>> -> memref<12800xf32, #tpu.memory_space<vmem>>
    %dma_wait3A_139 = tpu.memref_slice %arg2[%add3A_134] : memref<12800000xf32, #tpu.memory_space<hbm>> -> memref<12800xf32, #tpu.memory_space<hbm>>
    %dma_wait3A_140 = arith.constant 0 : i32
    %dma_wait3A_141 = tpu.memref_slice %arg5[%dma_wait3A_135, %dma_wait3A_140] : memref<2x12800xf32, #tpu.memory_space<vmem>> -> memref<1x12800xf32, #tpu.memory_space<vmem>>
    %dma_wait3A_142 = tpu.memref_squeeze %dma_wait3A_141 : memref<1x12800xf32, #tpu.memory_space<vmem>> -> memref<12800xf32, #tpu.memory_space<vmem>>
    %dma_wait3A_143 = tpu.memref_slice %arg2[%add3A_134] : memref<12800000xf32, #tpu.memory_space<hbm>> -> memref<12800xf32, #tpu.memory_space<hbm>>
    tpu.wait_dma2 semaphore(%arg8 : memref<!tpu.dma_semaphore, #tpu.memory_space<semaphore_mem>>) src(%dma_wait3A_143 : memref<12800xf32, #tpu.memory_space<hbm>>) dst(%dma_wait3A_142 : memref<12800xf32, #tpu.memory_space<vmem>>)
    %dma_wait3A_144 = arith.constant 0 : i32
    %dma_wait3A_145 = arith.constant 0 : i32
    %dma_wait3A_146 = tpu.memref_slice %arg6[%dma_wait3A_144, %dma_wait3A_145] : memref<2x12800xf32, #tpu.memory_space<vmem>> -> memref<1x12800xf32, #tpu.memory_space<vmem>>
    %dma_wait3A_147 = tpu.memref_squeeze %dma_wait3A_146 : memref<1x12800xf32, #tpu.memory_space<vmem>> -> memref<12800xf32, #tpu.memory_space<vmem>>
    %dma_wait3A_148 = tpu.memref_slice %arg3[%add3A_134] : memref<12800000xf32, #tpu.memory_space<hbm>> -> memref<12800xf32, #tpu.memory_space<hbm>>
    %dma_wait3A_149 = arith.constant 0 : i32
    %dma_wait3A_150 = tpu.memref_slice %arg6[%dma_wait3A_144, %dma_wait3A_149] : memref<2x12800xf32, #tpu.memory_space<vmem>> -> memref<1x12800xf32, #tpu.memory_space<vmem>>
    %dma_wait3A_151 = tpu.memref_squeeze %dma_wait3A_150 : memref<1x12800xf32, #tpu.memory_space<vmem>> -> memref<12800xf32, #tpu.memory_space<vmem>>
    %dma_wait3A_152 = tpu.memref_slice %arg3[%add3A_134] : memref<12800000xf32, #tpu.memory_space<hbm>> -> memref<12800xf32, #tpu.memory_space<hbm>>
    tpu.wait_dma2 semaphore(%arg10 : memref<!tpu.dma_semaphore, #tpu.memory_space<semaphore_mem>>) src(%dma_wait3A_152 : memref<12800xf32, #tpu.memory_space<hbm>>) dst(%dma_wait3A_151 : memref<12800xf32, #tpu.memory_space<vmem>>)
    %scan3A_153 = arith.constant 0 : i32
    %scan3A_154 = arith.constant 0 : i32
    %scan3A_155 = arith.constant 0 : i32
    %scan3A_156 = arith.constant 100 : i32
    %scan3A_157 = arith.addi %scan3A_155, %scan3A_156 : i32
    %scan3A_158 = arith.constant 1 : i32
    %scan3A_159:8 = scf.for %scan3A_171 = %scan3A_155 to %scan3A_157 step %scan3A_158 iter_args(%scan3A_172 = %scan3A_131#0, %scan3A_173 = %scan3A_131#1, %scan3A_174 = %scan3A_131#2, %scan3A_175 = %scan3A_131#3, %scan3A_176 = %scan3A_131#4, %scan3A_177 = %scan3A_131#5, %scan3A_178 = %scan3A_131#6, %scan3A_179 = %scan3A_131#7) -> (vector<16xf32>, vector<16xf32>, vector<16xf32>, vector<16xf32>, vector<16xf32>, vector<16xf32>, vector<16xf32>, vector<16xf32>)  : i32 {
      %mul3A_180 = arith.constant 128 : i32
      %mul3A_181 = arith.muli %scan3A_171, %mul3A_180 : i32
      %add3A_182 = arith.constant 0 : i32
      %add3A_183 = arith.addi %mul3A_181, %add3A_182 : i32
      %get3A = arith.constant 0 : i32
      %get3A_184 = tpu.memref_slice %arg5[%scan3A_153, %get3A] : memref<2x12800xf32, #tpu.memory_space<vmem>> -> memref<1x12800xf32, #tpu.memory_space<vmem>>
      %get3A_185 = tpu.memref_squeeze %get3A_184 : memref<1x12800xf32, #tpu.memory_space<vmem>> -> memref<12800xf32, #tpu.memory_space<vmem>>
      %get3A_186 = arith.index_cast %add3A_183 : i32 to index
      %get3A_187 = tpu.vector_load %get3A_185[%get3A_186] {strides = array<i32>} : memref<12800xf32, #tpu.memory_space<vmem>>, vector<16xf32>,
      %get3A_188 = vector.shape_cast %get3A_187 : vector<16xf32> to vector<16xf32>
      %get3A_189 = arith.constant 0 : i32
      %get3A_190 = tpu.memref_slice %arg6[%scan3A_154, %get3A_189] : memref<2x12800xf32, #tpu.memory_space<vmem>> -> memref<1x12800xf32, #tpu.memory_space<vmem>>
      %get3A_191 = tpu.memref_squeeze %get3A_190 : memref<1x12800xf32, #tpu.memory_space<vmem>> -> memref<12800xf32, #tpu.memory_space<vmem>>
      %get3A_192 = arith.index_cast %add3A_183 : i32 to index
      %get3A_193 = tpu.vector_load %get3A_191[%get3A_192] {strides = array<i32>} : memref<12800xf32, #tpu.memory_space<vmem>>, vector<16xf32>,
      %get3A_194 = vector.shape_cast %get3A_193 : vector<16xf32> to vector<16xf32>
      %sub3A = arith.subf %get3A_188, %get3A_194 : vector<16xf32>
      %mul3A_195 = arith.mulf %sub3A, %sub3A : vector<16xf32>
      %add3A_196 = arith.addf %scan3A_172, %mul3A_195 : vector<16xf32>
      %add3A_197 = arith.constant 16 : i32
      %add3A_198 = arith.addi %mul3A_181, %add3A_197 : i32
      %get3A_199 = arith.constant 0 : i32
      %get3A_200 = tpu.memref_slice %arg5[%scan3A_153, %get3A_199] : memref<2x12800xf32, #tpu.memory_space<vmem>> -> memref<1x12800xf32, #tpu.memory_space<vmem>>
      %get3A_201 = tpu.memref_squeeze %get3A_200 : memref<1x12800xf32, #tpu.memory_space<vmem>> -> memref<12800xf32, #tpu.memory_space<vmem>>
      %get3A_202 = arith.index_cast %add3A_198 : i32 to index
      %get3A_203 = tpu.vector_load %get3A_201[%get3A_202] {strides = array<i32>} : memref<12800xf32, #tpu.memory_space<vmem>>, vector<16xf32>,
      %get3A_204 = vector.shape_cast %get3A_203 : vector<16xf32> to vector<16xf32>
      %get3A_205 = arith.constant 0 : i32
      %get3A_206 = tpu.memref_slice %arg6[%scan3A_154, %get3A_205] : memref<2x12800xf32, #tpu.memory_space<vmem>> -> memref<1x12800xf32, #tpu.memory_space<vmem>>
      %get3A_207 = tpu.memref_squeeze %get3A_206 : memref<1x12800xf32, #tpu.memory_space<vmem>> -> memref<12800xf32, #tpu.memory_space<vmem>>
      %get3A_208 = arith.index_cast %add3A_198 : i32 to index
      %get3A_209 = tpu.vector_load %get3A_207[%get3A_208] {strides = array<i32>} : memref<12800xf32, #tpu.memory_space<vmem>>, vector<16xf32>,
      %get3A_210 = vector.shape_cast %get3A_209 : vector<16xf32> to vector<16xf32>
      %sub3A_211 = arith.subf %get3A_204, %get3A_210 : vector<16xf32>
      %mul3A_212 = arith.mulf %sub3A_211, %sub3A_211 : vector<16xf32>
      %add3A_213 = arith.addf %scan3A_173, %mul3A_212 : vector<16xf32>
      %add3A_214 = arith.constant 32 : i32
      %add3A_215 = arith.addi %mul3A_181, %add3A_214 : i32
      %get3A_216 = arith.constant 0 : i32
      %get3A_217 = tpu.memref_slice %arg5[%scan3A_153, %get3A_216] : memref<2x12800xf32, #tpu.memory_space<vmem>> -> memref<1x12800xf32, #tpu.memory_space<vmem>>
      %get3A_218 = tpu.memref_squeeze %get3A_217 : memref<1x12800xf32, #tpu.memory_space<vmem>> -> memref<12800xf32, #tpu.memory_space<vmem>>
      %get3A_219 = arith.index_cast %add3A_215 : i32 to index
      %get3A_220 = tpu.vector_load %get3A_218[%get3A_219] {strides = array<i32>} : memref<12800xf32, #tpu.memory_space<vmem>>, vector<16xf32>,
      %get3A_221 = vector.shape_cast %get3A_220 : vector<16xf32> to vector<16xf32>
      %get3A_222 = arith.constant 0 : i32
      %get3A_223 = tpu.memref_slice %arg6[%scan3A_154, %get3A_222] : memref<2x12800xf32, #tpu.memory_space<vmem>> -> memref<1x12800xf32, #tpu.memory_space<vmem>>
      %get3A_224 = tpu.memref_squeeze %get3A_223 : memref<1x12800xf32, #tpu.memory_space<vmem>> -> memref<12800xf32, #tpu.memory_space<vmem>>
      %get3A_225 = arith.index_cast %add3A_215 : i32 to index
      %get3A_226 = tpu.vector_load %get3A_224[%get3A_225] {strides = array<i32>} : memref<12800xf32, #tpu.memory_space<vmem>>, vector<16xf32>,
      %get3A_227 = vector.shape_cast %get3A_226 : vector<16xf32> to vector<16xf32>
      %sub3A_228 = arith.subf %get3A_221, %get3A_227 : vector<16xf32>
      %mul3A_229 = arith.mulf %sub3A_228, %sub3A_228 : vector<16xf32>
      %add3A_230 = arith.addf %scan3A_174, %mul3A_229 : vector<16xf32>
      %add3A_231 = arith.constant 48 : i32
      %add3A_232 = arith.addi %mul3A_181, %add3A_231 : i32
      %get3A_233 = arith.constant 0 : i32
      %get3A_234 = tpu.memref_slice %arg5[%scan3A_153, %get3A_233] : memref<2x12800xf32, #tpu.memory_space<vmem>> -> memref<1x12800xf32, #tpu.memory_space<vmem>>
      %get3A_235 = tpu.memref_squeeze %get3A_234 : memref<1x12800xf32, #tpu.memory_space<vmem>> -> memref<12800xf32, #tpu.memory_space<vmem>>
      %get3A_236 = arith.index_cast %add3A_232 : i32 to index
      %get3A_237 = tpu.vector_load %get3A_235[%get3A_236] {strides = array<i32>} : memref<12800xf32, #tpu.memory_space<vmem>>, vector<16xf32>,
      %get3A_238 = vector.shape_cast %get3A_237 : vector<16xf32> to vector<16xf32>
      %get3A_239 = arith.constant 0 : i32
      %get3A_240 = tpu.memref_slice %arg6[%scan3A_154, %get3A_239] : memref<2x12800xf32, #tpu.memory_space<vmem>> -> memref<1x12800xf32, #tpu.memory_space<vmem>>
      %get3A_241 = tpu.memref_squeeze %get3A_240 : memref<1x12800xf32, #tpu.memory_space<vmem>> -> memref<12800xf32, #tpu.memory_space<vmem>>
      %get3A_242 = arith.index_cast %add3A_232 : i32 to index
      %get3A_243 = tpu.vector_load %get3A_241[%get3A_242] {strides = array<i32>} : memref<12800xf32, #tpu.memory_space<vmem>>, vector<16xf32>,
      %get3A_244 = vector.shape_cast %get3A_243 : vector<16xf32> to vector<16xf32>
      %sub3A_245 = arith.subf %get3A_238, %get3A_244 : vector<16xf32>
      %mul3A_246 = arith.mulf %sub3A_245, %sub3A_245 : vector<16xf32>
      %add3A_247 = arith.addf %scan3A_175, %mul3A_246 : vector<16xf32>
      %add3A_248 = arith.constant 64 : i32
      %add3A_249 = arith.addi %mul3A_181, %add3A_248 : i32
      %get3A_250 = arith.constant 0 : i32
      %get3A_251 = tpu.memref_slice %arg5[%scan3A_153, %get3A_250] : memref<2x12800xf32, #tpu.memory_space<vmem>> -> memref<1x12800xf32, #tpu.memory_space<vmem>>
      %get3A_252 = tpu.memref_squeeze %get3A_251 : memref<1x12800xf32, #tpu.memory_space<vmem>> -> memref<12800xf32, #tpu.memory_space<vmem>>
      %get3A_253 = arith.index_cast %add3A_249 : i32 to index
      %get3A_254 = tpu.vector_load %get3A_252[%get3A_253] {strides = array<i32>} : memref<12800xf32, #tpu.memory_space<vmem>>, vector<16xf32>,
      %get3A_255 = vector.shape_cast %get3A_254 : vector<16xf32> to vector<16xf32>
      %get3A_256 = arith.constant 0 : i32
      %get3A_257 = tpu.memref_slice %arg6[%scan3A_154, %get3A_256] : memref<2x12800xf32, #tpu.memory_space<vmem>> -> memref<1x12800xf32, #tpu.memory_space<vmem>>
      %get3A_258 = tpu.memref_squeeze %get3A_257 : memref<1x12800xf32, #tpu.memory_space<vmem>> -> memref<12800xf32, #tpu.memory_space<vmem>>
      %get3A_259 = arith.index_cast %add3A_249 : i32 to index
      %get3A_260 = tpu.vector_load %get3A_258[%get3A_259] {strides = array<i32>} : memref<12800xf32, #tpu.memory_space<vmem>>, vector<16xf32>,
      %get3A_261 = vector.shape_cast %get3A_260 : vector<16xf32> to vector<16xf32>
      %sub3A_262 = arith.subf %get3A_255, %get3A_261 : vector<16xf32>
      %mul3A_263 = arith.mulf %sub3A_262, %sub3A_262 : vector<16xf32>
      %add3A_264 = arith.addf %scan3A_176, %mul3A_263 : vector<16xf32>
      %add3A_265 = arith.constant 80 : i32
      %add3A_266 = arith.addi %mul3A_181, %add3A_265 : i32
      %get3A_267 = arith.constant 0 : i32
      %get3A_268 = tpu.memref_slice %arg5[%scan3A_153, %get3A_267] : memref<2x12800xf32, #tpu.memory_space<vmem>> -> memref<1x12800xf32, #tpu.memory_space<vmem>>
      %get3A_269 = tpu.memref_squeeze %get3A_268 : memref<1x12800xf32, #tpu.memory_space<vmem>> -> memref<12800xf32, #tpu.memory_space<vmem>>
      %get3A_270 = arith.index_cast %add3A_266 : i32 to index
      %get3A_271 = tpu.vector_load %get3A_269[%get3A_270] {strides = array<i32>} : memref<12800xf32, #tpu.memory_space<vmem>>, vector<16xf32>,
      %get3A_272 = vector.shape_cast %get3A_271 : vector<16xf32> to vector<16xf32>
      %get3A_273 = arith.constant 0 : i32
      %get3A_274 = tpu.memref_slice %arg6[%scan3A_154, %get3A_273] : memref<2x12800xf32, #tpu.memory_space<vmem>> -> memref<1x12800xf32, #tpu.memory_space<vmem>>
      %get3A_275 = tpu.memref_squeeze %get3A_274 : memref<1x12800xf32, #tpu.memory_space<vmem>> -> memref<12800xf32, #tpu.memory_space<vmem>>
      %get3A_276 = arith.index_cast %add3A_266 : i32 to index
      %get3A_277 = tpu.vector_load %get3A_275[%get3A_276] {strides = array<i32>} : memref<12800xf32, #tpu.memory_space<vmem>>, vector<16xf32>,
      %get3A_278 = vector.shape_cast %get3A_277 : vector<16xf32> to vector<16xf32>
      %sub3A_279 = arith.subf %get3A_272, %get3A_278 : vector<16xf32>
      %mul3A_280 = arith.mulf %sub3A_279, %sub3A_279 : vector<16xf32>
      %add3A_281 = arith.addf %scan3A_177, %mul3A_280 : vector<16xf32>
      %add3A_282 = arith.constant 96 : i32
      %add3A_283 = arith.addi %mul3A_181, %add3A_282 : i32
      %get3A_284 = arith.constant 0 : i32
      %get3A_285 = tpu.memref_slice %arg5[%scan3A_153, %get3A_284] : memref<2x12800xf32, #tpu.memory_space<vmem>> -> memref<1x12800xf32, #tpu.memory_space<vmem>>
      %get3A_286 = tpu.memref_squeeze %get3A_285 : memref<1x12800xf32, #tpu.memory_space<vmem>> -> memref<12800xf32, #tpu.memory_space<vmem>>
      %get3A_287 = arith.index_cast %add3A_283 : i32 to index
      %get3A_288 = tpu.vector_load %get3A_286[%get3A_287] {strides = array<i32>} : memref<12800xf32, #tpu.memory_space<vmem>>, vector<16xf32>,
      %get3A_289 = vector.shape_cast %get3A_288 : vector<16xf32> to vector<16xf32>
      %get3A_290 = arith.constant 0 : i32
      %get3A_291 = tpu.memref_slice %arg6[%scan3A_154, %get3A_290] : memref<2x12800xf32, #tpu.memory_space<vmem>> -> memref<1x12800xf32, #tpu.memory_space<vmem>>
      %get3A_292 = tpu.memref_squeeze %get3A_291 : memref<1x12800xf32, #tpu.memory_space<vmem>> -> memref<12800xf32, #tpu.memory_space<vmem>>
      %get3A_293 = arith.index_cast %add3A_283 : i32 to index
      %get3A_294 = tpu.vector_load %get3A_292[%get3A_293] {strides = array<i32>} : memref<12800xf32, #tpu.memory_space<vmem>>, vector<16xf32>,
      %get3A_295 = vector.shape_cast %get3A_294 : vector<16xf32> to vector<16xf32>
      %sub3A_296 = arith.subf %get3A_289, %get3A_295 : vector<16xf32>
      %mul3A_297 = arith.mulf %sub3A_296, %sub3A_296 : vector<16xf32>
      %add3A_298 = arith.addf %scan3A_178, %mul3A_297 : vector<16xf32>
      %add3A_299 = arith.constant 112 : i32
      %add3A_300 = arith.addi %mul3A_181, %add3A_299 : i32
      %get3A_301 = arith.constant 0 : i32
      %get3A_302 = tpu.memref_slice %arg5[%scan3A_153, %get3A_301] : memref<2x12800xf32, #tpu.memory_space<vmem>> -> memref<1x12800xf32, #tpu.memory_space<vmem>>
      %get3A_303 = tpu.memref_squeeze %get3A_302 : memref<1x12800xf32, #tpu.memory_space<vmem>> -> memref<12800xf32, #tpu.memory_space<vmem>>
      %get3A_304 = arith.index_cast %add3A_300 : i32 to index
      %get3A_305 = tpu.vector_load %get3A_303[%get3A_304] {strides = array<i32>} : memref<12800xf32, #tpu.memory_space<vmem>>, vector<16xf32>,
      %get3A_306 = vector.shape_cast %get3A_305 : vector<16xf32> to vector<16xf32>
      %get3A_307 = arith.constant 0 : i32
      %get3A_308 = tpu.memref_slice %arg6[%scan3A_154, %get3A_307] : memref<2x12800xf32, #tpu.memory_space<vmem>> -> memref<1x12800xf32, #tpu.memory_space<vmem>>
      %get3A_309 = tpu.memref_squeeze %get3A_308 : memref<1x12800xf32, #tpu.memory_space<vmem>> -> memref<12800xf32, #tpu.memory_space<vmem>>
      %get3A_310 = arith.index_cast %add3A_300 : i32 to index
      %get3A_311 = tpu.vector_load %get3A_309[%get3A_310] {strides = array<i32>} : memref<12800xf32, #tpu.memory_space<vmem>>, vector<16xf32>,
      %get3A_312 = vector.shape_cast %get3A_311 : vector<16xf32> to vector<16xf32>
      %sub3A_313 = arith.subf %get3A_306, %get3A_312 : vector<16xf32>
      %mul3A_314 = arith.mulf %sub3A_313, %sub3A_313 : vector<16xf32>
      %add3A_315 = arith.addf %scan3A_179, %mul3A_314 : vector<16xf32>
      scf.yield %add3A_196, %add3A_213, %add3A_230, %add3A_247, %add3A_264, %add3A_281, %add3A_298, %add3A_315 : vector<16xf32>, vector<16xf32>, vector<16xf32>, vector<16xf32>, vector<16xf32>, vector<16xf32>, vector<16xf32>, vector<16xf32>
    }
    %scan3A_160 = arith.constant 100 : i32
    %add3A_161 = arith.addf %scan3A_159#0, %scan3A_159#1 : vector<16xf32>
    %add3A_162 = arith.addf %add3A_161, %scan3A_159#2 : vector<16xf32>
    %add3A_163 = arith.addf %add3A_162, %scan3A_159#3 : vector<16xf32>
    %add3A_164 = arith.addf %add3A_163, %scan3A_159#4 : vector<16xf32>
    %add3A_165 = arith.addf %add3A_164, %scan3A_159#5 : vector<16xf32>
    %add3A_166 = arith.addf %add3A_165, %scan3A_159#6 : vector<16xf32>
    %add3A_167 = arith.addf %add3A_166, %scan3A_159#7 : vector<16xf32>
    %swap3A = arith.constant 0 : index
    %swap3A_168 = tpu.vector_load %arg7[%swap3A] {strides = array<i32>} : memref<16xf32, #tpu.memory_space<vmem>>, vector<16xf32>,
    %swap3A_169 = vector.shape_cast %swap3A_168 : vector<16xf32> to vector<16xf32>
    %swap3A_170 = vector.shape_cast %add3A_167 : vector<16xf32> to vector<16xf32>
    tpu.vector_store %arg7[%swap3A], %swap3A_170 {strides = array<i32>} : memref<16xf32, #tpu.memory_space<vmem>>, vector<16xf32>,
    "tpu.region"() ({
      %run_scoped3A = tpu.sem_alloc : memref<!tpu.dma_semaphore, #tpu.memory_space<semaphore_mem>>
      %dma_start3A_171 = arith.constant 0 : i32
      %dma_start3A_172 = tpu.memref_slice %arg4[%add3A, %dma_start3A_171] : memref<32x16xf32, #tpu.memory_space<hbm>> -> memref<1x16xf32, #tpu.memory_space<hbm>>
      %dma_start3A_173 = tpu.memref_squeeze %dma_start3A_172 : memref<1x16xf32, #tpu.memory_space<hbm>> -> memref<16xf32, #tpu.memory_space<hbm>>
      %dma_start3A_174 = arith.constant 0 : i32
      %dma_start3A_175 = tpu.memref_slice %arg4[%add3A, %dma_start3A_174] : memref<32x16xf32, #tpu.memory_space<hbm>> -> memref<1x16xf32, #tpu.memory_space<hbm>>
      %dma_start3A_176 = tpu.memref_squeeze %dma_start3A_175 : memref<1x16xf32, #tpu.memory_space<hbm>> -> memref<16xf32, #tpu.memory_space<hbm>>
      tpu.enqueue_dma source(%arg7 : memref<16xf32, #tpu.memory_space<vmem>>) target(%dma_start3A_176 : memref<16xf32, #tpu.memory_space<hbm>>) target_semaphore(%run_scoped3A : memref<!tpu.dma_semaphore, #tpu.memory_space<semaphore_mem>>)
      %dma_wait3A_177 = arith.constant 0 : i32
      %dma_wait3A_178 = tpu.memref_slice %arg4[%add3A, %dma_wait3A_177] : memref<32x16xf32, #tpu.memory_space<hbm>> -> memref<1x16xf32, #tpu.memory_space<hbm>>
      %dma_wait3A_179 = tpu.memref_squeeze %dma_wait3A_178 : memref<1x16xf32, #tpu.memory_space<hbm>> -> memref<16xf32, #tpu.memory_space<hbm>>
      %dma_wait3A_180 = arith.constant 0 : i32
      %dma_wait3A_181 = tpu.memref_slice %arg4[%add3A, %dma_wait3A_180] : memref<32x16xf32, #tpu.memory_space<hbm>> -> memref<1x16xf32, #tpu.memory_space<hbm>>
      %dma_wait3A_182 = tpu.memref_squeeze %dma_wait3A_181 : memref<1x16xf32, #tpu.memory_space<hbm>> -> memref<16xf32, #tpu.memory_space<hbm>>
      tpu.wait_dma2 semaphore(%run_scoped3A : memref<!tpu.dma_semaphore, #tpu.memory_space<semaphore_mem>>) src(%arg7 : memref<16xf32, #tpu.memory_space<vmem>>) dst(%dma_wait3A_182 : memref<16xf32, #tpu.memory_space<hbm>>)
      tpu.yield
    }) : () -> ()
    return
  }
}

module attributes {stable_mosaic.version = 14 : i64} {
  func.func @_tc_sse_kernel(%arg0: i32, %arg1: memref<1xf32, #tpu.memory_space<smem>>, %arg2: memref<9040x128xf32, #tpu.memory_space<vmem>>, %arg3: memref<9040x128xf32, #tpu.memory_space<vmem>>, %arg4: memref<1xf32, #tpu.memory_space<smem>>) attributes {dimension_semantics = [#tpu.dimension_semantics<arbitrary>], iteration_bounds = array<i64: 10>, scalar_prefetch = 0 : i64, scratch_operands = 0 : i64, tpu.core_type = #tpu.core_type<tc>, window_params = [{transform_indices = @transform_0, window_bounds = array<i64: 1>}, {transform_indices = @transform_1, window_bounds = array<i64: 9040, 128>}, {transform_indices = @transform_2, window_bounds = array<i64: 9040, 128>}, {transform_indices = @transform_3, window_bounds = array<i64: 1>}]} {
    %eq3A = arith.constant 0 : i32
    %eq3A_0 = arith.cmpi eq, %arg0, %eq3A : i32
    %convert_element_type3A = arith.extui %eq3A_0 : i1 to i32
    %cond3A = arith.constant 0 : i32
    %cond3A_1 = arith.cmpi ne, %convert_element_type3A, %cond3A : i32
    scf.if %cond3A_1 {
      %swap3A_19 = arith.constant 0.000000e+00 : f32
      %swap3A_20 = arith.constant 0 : index
      %swap3A_21 = memref.load %arg4[%swap3A_20] : memref<1xf32, #tpu.memory_space<smem>>
      memref.store %swap3A_19, %arg4[%swap3A_20] : memref<1xf32, #tpu.memory_space<smem>>
    } else {
    }
    %get3A = arith.constant 0 : index
    %get3A_2 = arith.constant 0 : index
    %get3A_3 = vector.load %arg2[%get3A, %get3A_2] : memref<9040x128xf32, #tpu.memory_space<vmem>>, vector<9040x128xf32>
    %get3A_4 = arith.constant 0 : index
    %get3A_5 = arith.constant 0 : index
    %get3A_6 = vector.load %arg3[%get3A_4, %get3A_5] : memref<9040x128xf32, #tpu.memory_space<vmem>>, vector<9040x128xf32>
    %sub3A = arith.subf %get3A_3, %get3A_6 : vector<9040x128xf32>
    %get3A_7 = arith.constant 0 : index
    %get3A_8 = memref.load %arg4[%get3A_7] : memref<1xf32, #tpu.memory_space<smem>>
    %mul3A = arith.mulf %sub3A, %sub3A : vector<9040x128xf32>
    %reduce_sum3A = vector.shape_cast %mul3A : vector<9040x128xf32> to vector<1x9040x128xf32>
    %reduce_sum3A_9 = arith.constant dense<0.000000e+00> : vector<1xf32>
    %reduce_sum3A_10 = vector.multi_reduction <add>, %reduce_sum3A, %reduce_sum3A_9 [1, 2] : vector<1x9040x128xf32> to vector<1xf32>
    %reduce_sum3A_11 = vector.shape_cast %reduce_sum3A_10 : vector<1xf32> to vector<1x1x1xf32>
    %reduce_sum3A_12 = vector.extract %reduce_sum3A_11[0, 0, 0] : f32 from vector<1x1x1xf32>
    %add3A = arith.addf %get3A_8, %reduce_sum3A_12 : f32
    %swap3A = arith.constant 0 : index
    %swap3A_13 = memref.load %arg4[%swap3A] : memref<1xf32, #tpu.memory_space<smem>>
    memref.store %add3A, %arg4[%swap3A] : memref<1xf32, #tpu.memory_space<smem>>
    %eq3A_14 = arith.constant 9 : i32
    %eq3A_15 = arith.cmpi eq, %arg0, %eq3A_14 : i32
    %convert_element_type3A_16 = arith.extui %eq3A_15 : i1 to i32
    %cond3A_17 = arith.constant 0 : i32
    %cond3A_18 = arith.cmpi ne, %convert_element_type3A_16, %cond3A_17 : i32
    scf.if %cond3A_18 {
      %get3A_19 = arith.constant 0 : index
      %get3A_20 = memref.load %arg4[%get3A_19] : memref<1xf32, #tpu.memory_space<smem>>
      %get3A_21 = arith.constant 0 : index
      %get3A_22 = memref.load %arg1[%get3A_21] : memref<1xf32, #tpu.memory_space<smem>>
      %div3A = arith.divf %get3A_20, %get3A_22 : f32
      %swap3A_23 = arith.constant 0 : index
      %swap3A_24 = memref.load %arg4[%swap3A_23] : memref<1xf32, #tpu.memory_space<smem>>
      memref.store %div3A, %arg4[%swap3A_23] : memref<1xf32, #tpu.memory_space<smem>>
    } else {
    }
    return
  }
  func.func @transform_0(%arg0: i32) -> i32 {
    %c0_i32 = arith.constant 0 : i32
    %c0_i32_0 = arith.constant 0 : i32
    return %c0_i32 : i32
  }
  func.func @transform_1(%arg0: i32) -> (i32, i32) {
    %c0_i32 = arith.constant 0 : i32
    %c0_i32_0 = arith.constant 0 : i32
    return %arg0, %c0_i32 : i32, i32
  }
  func.func @transform_2(%arg0: i32) -> (i32, i32) {
    %c0_i32 = arith.constant 0 : i32
    %c0_i32_0 = arith.constant 0 : i32
    return %arg0, %c0_i32 : i32, i32
  }
  func.func @transform_3(%arg0: i32) -> i32 {
    %c0_i32 = arith.constant 0 : i32
    %c0_i32_0 = arith.constant 0 : i32
    return %c0_i32 : i32
  }
}

</mosaic_0001>

<sc_bundles>
// kernel: kernel.4.cloned.1.call-start
scs
__scs_entry_jumppad:
0x0: {  	(pc) =	sbr.rel $0x88, $3  }
0x1: {  	(tag) =	ssettag $0x0;
	lr =	simm.s32 $0x1  }
0x2: {  	[smem:$0x3F9E] =	sst lr;
	_ =	strace $0xD0000000  }
0x3: {  	_ = 	snop  }
0x4: {  	_ = 	snop  }
0x5: {  	_ = 	snop  }
0x6: {  	_ = 	snop  }
0x7: {  	_ = 	snop  }
__scs_overlays_trampoline_lowered:
0x8: {  	[smem:$0x3FAD] =	sst s0  }
0x9: {  	[smem:$0x3FAE] =	sst s1  }
0xa: {  	[smem:$0x3FAF] =	sst s2  }
0xb: {  	[smem:$0x3FB0] =	sst s3  }
0xc: {  	[smem:$0x3FB1] =	sst s4  }
0xd: {  	[smem:$0x3FB2] =	sst s5  }
0xe: {  	[smem:$0x3FB3] =	sst s6  }
0xf: {  	[smem:$0x3FB4] =	sst s7  }
0x10: {  	[smem:$0x3FB5] =	sst s8  }
0x11: {  	[smem:$0x3FB6] =	sst s9;
	s0 =	simm.s32 @!p0 $0x0  }
0x12: {  	s1 =	sld [smem:$0x3F9C];
	s0 =	simm.s32 @p0 $0x1  }
0x13: {  	[smem:$0x3FB7] =	sst s0;
	s0 =	simm.s32 @!p1 $0x0  }
0x14: {  	s2 =	sld [smem:$0x3F9B];
	s0 =	simm.s32 @p1 $0x1  }
0x15: {  	[smem:$0x3FB8] =	sst s0;
	s0 =	simm.s32 @!p2 $0x0  }
0x16: {  	s3 =	sld [smem:$0x3FDB];
	s0 =	simm.s32 @p2 $0x1  }
0x17: {  	s4 =	simm.s32 $0x1BF5;
	[smem:$0x3FBA] =	sst s0  }
0x18: {  	s0 =	sld [smem:$0x3F9D];
	_ =	swait.ge [sflag:s4], $0x0  }
0x19: {  	s7 =	sld [smem:$0x3F9E]  }
0x1a: {  	s8 =	sadd.s32 $0xFFFFE003, lr  }
0x1b: {  	s9 =	sadd.s32 $0xFFFFFEF7, lr;
	s5 =	simm.s32 $0xFFFFFFFF;
	p2 =	slt.u32 s8, $0xFFFFF086  }
0x1c: {  	p1 =	slt.u32 s9, $0xF7A;
	s5 =	simm.s32 @!p2 $0x0  }
0x1d: {  	s5 =	simm.s32 @p1 $0x1;
	p0 =	seq.s32 s7, s2  }
0x1e: {  	s7 =	smul.u32 @!p0 $0xF7A, s2;
	p2 =	seq.s32 @!p0 s5, $0x0  }
0x1f: {  	s9 =	smul.u32 $0xF7A, s1;
	s8 =	simm.s32 @!p0 $0x1BF5;
	p2 =	por !p2, p0  }
0x20: {  	[sflag:s8] =	ssyncset.s32 @!p0 $0xFFFFF086;
	s6 =	sadd.s32 @!p0 s3, s7;
	s7 =	simm.s32 @!p0 $0x108  }
0x21: {  	s3 =	sadd.s32 s3, s9;
	s6 =	sadd.s32 @!p0 $0x88, s6;
	s7 =	simm.s32 @p2 $0x1082  }
0x22: {  	[simem:s7], [sflag:s8] =	dma.local @!p0 [hbm:s6], $0xF7A  }
0x23: {  	s9 =	sor.u32 $0xD0000000, s2;
	s6 =	simm.s32 $0x108;
	_ =	swait.ge @!p0 [sflag:s8], $0x0  }
0x24: {  	s3 =	sadd.s32 $0x88, s3;
	s6 =	simm.s32 @!p1 $0x1082;
	[sflag:s4] =	ssyncset.s32 $0xFFFFF086  }
0x25: {  	[simem:s6], [sflag:s4] =	dma.local [hbm:s3], $0xF7A  }
0x26: {  	[smem:$0x3F9E] =	sst s1;
	(tag) =	ssettag s2;
	_ =	strace s9  }
0x27: {  	s1 =	sld [smem:$0x3FAE]  }
0x28: {  	s2 =	sld [smem:$0x3FAF]  }
0x29: {  	s4 =	sld [smem:$0x3FB1]  }
0x2a: {  	p0 =	seq.s32 s5, $0x0;
	s5 =	sld [smem:$0x3FB2]  }
0x2b: {  	s6 =	sld [smem:$0x3FB3]  }
0x2c: {  	s7 =	sld [smem:$0x3FB4]  }
0x2d: {  	s3 =	simm.s32 $0x108;
	s8 =	sld [smem:$0x3FB5]  }
0x2e: {  	s3 =	simm.s32 @!p0 $0x1082;
	s9 =	sld [smem:$0x3FB6]  }
0x2f: {  	lr =	sadd.s32 s0, s3;
	s0 =	sld [smem:$0x3FAD]  }
0x30: {  	s3 =	sld [smem:$0x3FB0]  }
0x31: {  	[smem:$0x3FB9] =	sst s10  }
0x32: {  	s10 =	sld [smem:$0x3FB7];
	_ =	sdelay $0x3  }
0x33: {  	p0 =	seq.s32 s10, $0x1;
	s10 =	sld [smem:$0x3FB9];
	_ =	sdelay $0x3  }
0x34: {  	[smem:$0x3FB9] =	sst s10  }
0x35: {  	s10 =	sld [smem:$0x3FB8];
	_ =	sdelay $0x3  }
0x36: {  	p1 =	seq.s32 s10, $0x1;
	s10 =	sld [smem:$0x3FB9];
	_ =	sdelay $0x3  }
0x37: {  	[smem:$0x3FB9] =	sst s10  }
0x38: {  	s10 =	sld [smem:$0x3FBA]  }
0x39: {  	_ = 	snop;
	(pc) =	sbr.ind lr, $3  }
0x3a: {  	_ = 	snop  }
0x3b: {  	_ = 	snop  }
0x3c: {  	p2 =	seq.s32 s10, $0x1;
	s10 =	sld [smem:$0x3FB9]  }
0x3d: {  	_ =	shalt  }
0x3e: {  	_ =	shalt  }
0x3f: {  	_ =	shalt  }
0x40: {  	_ =	shalt  }
0x41: {  	_ =	shalt  }
0x42: {  	_ =	shalt  }
0x43: {  	_ =	shalt  }
0x44: {  	_ =	shalt  }
0x45: {  	_ =	shalt  }
0x46: {  	_ =	shalt  }
0x47: {  	_ =	shalt  }
0x48: {  	_ =	shalt  }
0x49: {  	_ =	shalt  }
0x4a: {  	_ =	shalt  }
0x4b: {  	_ =	shalt  }
0x4c: {  	_ =	shalt  }
0x4d: {  	_ =	shalt  }
0x4e: {  	_ =	shalt  }
0x4f: {  	_ =	shalt  }
0x50: {  	_ =	shalt  }
0x51: {  	_ =	shalt  }
0x52: {  	_ =	shalt  }
0x53: {  	_ =	shalt  }
0x54: {  	_ =	shalt  }
0x55: {  	_ =	shalt  }
0x56: {  	_ =	shalt  }
0x57: {  	_ =	shalt  }
0x58: {  	_ =	shalt  }
0x59: {  	_ =	shalt  }
0x5a: {  	_ =	shalt  }
0x5b: {  	_ =	shalt  }
0x5c: {  	_ =	shalt  }
0x5d: {  	_ =	shalt  }
0x5e: {  	_ =	shalt  }
0x5f: {  	_ =	shalt  }
0x60: {  	_ =	shalt  }
0x61: {  	_ =	shalt  }
0x62: {  	_ =	shalt  }
0x63: {  	_ =	shalt  }
0x64: {  	_ =	shalt  }
0x65: {  	_ =	shalt  }
0x66: {  	_ =	shalt  }
0x67: {  	_ =	shalt  }
0x68: {  	_ =	shalt  }
0x69: {  	_ =	shalt  }
0x6a: {  	_ =	shalt  }
0x6b: {  	_ =	shalt  }
0x6c: {  	_ =	shalt  }
0x6d: {  	_ =	shalt  }
0x6e: {  	_ =	shalt  }
0x6f: {  	_ =	shalt  }
0x70: {  	_ =	shalt  }
0x71: {  	_ =	shalt  }
0x72: {  	_ =	shalt  }
0x73: {  	_ =	shalt  }
0x74: {  	_ =	shalt  }
0x75: {  	_ =	shalt  }
0x76: {  	_ =	shalt  }
0x77: {  	_ =	shalt  }
0x78: {  	_ =	shalt  }
0x79: {  	_ =	shalt  }
0x7a: {  	_ =	shalt  }
0x7b: {  	_ =	shalt  }
0x7c: {  	_ =	shalt  }
0x7d: {  	_ =	shalt  }
0x7e: {  	_ =	shalt  }
0x7f: {  	_ =	shalt  }
0x80: {  	_ =	shalt  }
0x81: {  	_ =	shalt  }
0x82: {  	_ =	shalt  }
0x83: {  	_ =	shalt  }
0x84: {  	_ =	shalt  }
0x85: {  	_ =	shalt  }
0x86: {  	_ =	shalt  }
0x87: {  	_ =	shalt  }
.Lfunc_end0:
.L_simem_size_0:
called_computation_lowered:
.L_overlay_start_0:
0x88: {  	s2 =	sld [smem:$0x3FD9]  }
0x89: {  	s3 =	sld [smem:$0x3FFE];
	_ =	sdelay $0x1  }
0x8a: {  	s1 =	srdreg.scid  }
0x8b: {  	s0 =	sand.u32 $0x1, s1  }
0x8c: {  	s17 =	sshll.u32 s0, $0xA;
	s2 =	sadd.s32 s3, s2  }
0x8d: {  	s2 =	sadd.s32 s2, s17  }
0x8e: {  	[smem:$0x3FC5] =	sst s2  }
0x8f: {  	_ = 	snop  }
0x90: {  	s2 =	sld [smem:$0x3FC9]  }
0x91: {  	s18 =	sld [smem:$0x3FC8];
	(tm) =	ssettm $0x1  }
0x92: {  	s4 =	sld [smem:$0x3FFB];
	_ =	sdelay $0x3  }
0x93: {  	_ =	strace s4  }
0x94: {  	s4 =	sld [smem:$0x3FFC];
	_ =	sdelay $0x3  }
0x95: {  	_ =	strace s4  }
0x96: {  	s4 =	sld [smem:$0x3FFD];
	_ =	sdelay $0x3  }
0x97: {  	_ =	strace s4  }
0x98: {  	_ =	strace $0x8FFFFFFF  }
0x99: {  	s19 =	sld [smem:$0x3FDB];
	_ =	sdelay $0x1  }
0x9a: {  	s5 =	simm.s32 $_scs_section_size  }
0x9b: {  	s6 =	simm.s32 $_size__tile_overlayer_lowered;
	s7 =	simm.s32 $_tile_overlayer_lowered  }
0x9c: {  	s22 =	simm.s32 $0x1BFF;
	s21 =	sshll.u32 s7, $0x1;
	s4 =	sadd.s32 s5, s19  }
0x9d: {  	s8 =	simm.s32 $0x0;
	s20 =	sshll.u32 s6, $0x1;
	s6 =	sadd.s32 s21, s4  }
0x9e: {  	[timem:s8], [sflag:s22] =	dma.local [hbm:s6], s20  }
0x9f: {  	_ =	swait.ge [sflag:s22], s20  }
0xa0: {  	s5 =	ssub.s32 $0x0, s20;
	[sflag:s22] =	ssyncset.done $0x0  }
0xa1: {  	[sflag:s22] =	ssyncadd.s32 s5;
	_ =	sdelay $0x1  }
0xa2: {  	s23 =	simm.s32 $0x1B8B  }
0xa3: {  	_ =	swait.ge [sflag:s23], $0x1  }
0xa4: {  	[sflag:s23] =	ssyncset.done $0x0  }
0xa5: {  	s25 =	simm.s32 $0x1B8E;
	s24 =	sld [smem:$0x3FFE];
	[sflag:s23] =	ssyncadd.s32 $0xFFFFFFFF  }
0xa6: {  	s26 =	simm.s32 $execute0_lowered;
	[smem:$0x3FD2] =	sst s25  }
0xa7: {  	s6 =	sshll.u32 s26, $0x1;
	_ =	strace $0x80000046;
	[dreg:$0x1] =	wrdreg $0xFFFFFFFF  }
0xa8: {  	s28 =	simm.s32 $_size_execute0_lowered;
	s4 =	sadd.s32 s4, s6;
	[dreg:$0x0] =	wrdreg $0x0  }
0xa9: {  	s6 =	sshll.u32 s28, $0x1;
	[dreg:$0x2] =	wrdreg s4  }
0xaa: {  	[dreg:$0x3] =	wrdreg s6  }
0xab: {  	[dreg:$0x4] =	wrdreg $0xC0  }
0xac: {  	_ =	task [dreg:s8], $0x5FFFF  }
0xad: {  	[dreg:$0x1] =	wrdreg $0xFFFFFFFF  }
0xae: {  	[dreg:$0x0] =	wrdreg $0x60  }
0xaf: {  	[dreg:$0x2] =	wrdreg s2  }
0xb0: {  	[dreg:$0x3] =	wrdreg s18  }
0xb1: {  	[dreg:$0x4] =	wrdreg s24  }
0xb2: {  	[dreg:$0x5] =	wrdreg $0x9  }
0xb3: {  	_ =	task.clear_ibuf [dreg:s8], $0x6FFFF;
	_ =	strace $0x90000046  }
0xb4: {  	s29 =	simm.s32 $0x9;
	_ =	strace $0x80000048  }
0xb5: {  	_ =	swait.ge [sflag:s29], $0x1  }
0xb6: {  	[sflag:s29] =	ssyncadd.s32 $0xFFFFFFFF  }
0xb7: {  	_ =	strace $0x90000048  }
0xb8: {  	_ =	sfence  }
0xb9: {  	s30 =	sld [smem:$0x0];
	_ =	sdelay $0x2  }
0xba: {  	s31 =	sshll.u32 s1, $0xD;
	s1 =	sshrl.u32 s1, $0x2  }
0xbb: {  	s3 =	sand.u32 $0x4000, s31;
	s1 =	sadd.s32 s1, s30  }
0xbc: {  	s0 =	sor.u32 s3, s0;
	s1 =	sshll.u32 s1, $0x11  }
0xbd: {  	s0 =	sor.u32 s1, s0  }
0xbe: {  	s0 =	sadd.s32 $0x8F2B, s0  }
0xbf: {  	[sflag:s0] =	ssyncadd.remote.s32 $0x1  }
0xc0: {  	_ =	sfence.sel $0xFFFF  }
0xc1: {  	[dreg:$0x0] =	wrdreg $0xFFFFFFFF;
	(pc) =	sbr.abs _section_cstart, $3  }
0xc2: {  	[dreg:$0x1] =	wrdreg $0xFFFFFFFF  }
0xc3: {  	_ =	task.clear_ibuf [dreg:s8], $0x2FFFF;
	_ =	strace $0x9FFFFFFF  }
0xc4: {  	(tm) =	ssettm $0x7FFFFFFF  }
0xc5: {  	_ =	shalt  }
tec
execute0_lowered:
.L_overlay_start_1:
0x0: {  	(tag) =	ssettag $0x1  }
0x1: {  	s7 =	rddreg [dreg:$0x0]  }
0x2: {  	s1 =	srdreg.scid;
	s8 =	rddreg [dreg:$0x1]  }
0x3: {  	s0 =	stileid.u32;
	s10 =	rddreg [dreg:$0x2];
	s2 =	simm.s32 $0x0  }
0x4: {  	s13 =	simm.s32 $0x2;
	s14 =	simm.s32 $0x4;
	s15 =	simm.s32 $0xC800  }
0x5: {  	s16 =	simm.s32 $0x5;
	s3 =	sand.u32 $0x1, s1;
	s31 =	sshll.u32 s0, $0x1  }
0x6: {  	s17 =	simm.s32 $0x0;
	s1 =	rddreg [dreg:$0x3];
	s9 =	sor.u32 s3, s31  }
0x7: {  	[smem:$0x7FF] =	sst s2;
	s3 =	ssub.s32 $0x2, s3;
	s4 =	smul.u32 $0x9600, s9  }
0x8: {  	_ =	strace $0x80000047;
	s5 =	sshrl.u32 s3, $0x1;
	s9 =	sshll.u32 s9, $0x4  }
0x9: {  	s12 =	ssub.s32 s3, s5;
	s9 =	sadd.s32 s10, s9;
	s11 =	sshrl.u32 s4, $0x3  }
0xa: {  	s10 =	smax.u32 s12, $0x1;
	s12 =	simm.s32 $0x3;
	s4 =	sadd.s32 $0x161200, s11  }
0xb: {  	s6 =	sadd.s32 $0x161840, s11;
	s11 =	sadd.s32 $0x161E80, s11;
	s3 =	sadd.s32 s7, s4  }
0xc: {  	s4 =	sadd.s32 s8, s4;
	s5 =	sadd.s32 s7, s6;
	s6 =	sadd.s32 s8, s6  }
0xd: {  	s7 =	sadd.s32 s7, s11;
	s8 =	sadd.s32 s8, s11;
	s11 =	simm.s32 $0x1  }
.LBB2_1:
0xe: {  	s18 =	simm.s32 $0x10  }
0xf: {  	s21 =	sadd.s32 $0x0, s3;
	s19 =	simm.s32 $0x100;
	s20 =	simm.s32 $0x0  }
.LBB2_2:
0x10: {  	[tilespmem:s20], [sflag:$0x1] =	stream.linear.gather [hbm4b:s21+s2], $0x80, $0x38;
	[tilespmem:$0xC880] =	vst v63  }
0x11: {  	s21 =	smov.u32 s18;
	s20 =	smov.u32 s19;
	p0 =	sne.s32 s18, $0x630  }
.Ltmp0:
0x12: {  	s18 =	sadd.s32 $0x10, s18;
	(pc) =	sbr.rel @p0 .LBB2_2-.Ltmp0, $2  }
0x13: {  	_ =	sdelay $0x2  }
0x14: {  	s19 =	sadd.s32 $0x100, s19;
	s21 =	sadd.s32 s21, s3  }
0x15: {  	[tilespmem:s20], [sflag:$0x1] =	stream.linear.gather [hbm4b:s21+s2], $0x80, $0x38;
	[tilespmem:$0xC880] =	vst v63  }
0x16: {  	s18 =	simm.s32 $0x6400  }
0x17: {  	s19 =	simm.s32 $0x10;
	s21 =	sadd.s32 $0x0, s4;
	s20 =	simm.s32 $0x6500  }
.LBB2_4:
0x18: {  	[tilespmem:s18], [sflag:$0x3] =	stream.linear.gather [hbm4b:s21+s2], $0x80, $0x38;
	[tilespmem:$0xC880] =	vst v63  }
0x19: {  	s21 =	smov.u32 s19;
	s18 =	smov.u32 s20;
	p0 =	sne.s32 s19, $0x630  }
.Ltmp1:
0x1a: {  	s19 =	sadd.s32 $0x10, s19;
	(pc) =	sbr.rel @p0 .LBB2_4-.Ltmp1, $2  }
0x1b: {  	_ =	sdelay $0x2  }
0x1c: {  	s20 =	sadd.s32 $0x100, s20;
	s21 =	sadd.s32 s21, s4  }
0x1d: {  	[tilespmem:s18], [sflag:$0x3] =	stream.linear.gather [hbm4b:s21+s2], $0x80, $0x38;
	[tilespmem:$0xC880] =	vst v63  }
0x1e: {  	s18 =	simm.s32 $0x80  }
0x1f: {  	s19 =	simm.s32 $0x10;
	s21 =	sadd.s32 $0x0, s5;
	s20 =	simm.s32 $0x180  }
.LBB2_6:
0x20: {  	[tilespmem:s18], [sflag:$0x2] =	stream.linear.gather [hbm4b:s21+s2], $0x80, $0x38;
	[tilespmem:$0xC880] =	vst v63  }
0x21: {  	s21 =	smov.u32 s19;
	s18 =	smov.u32 s20;
	p0 =	sne.s32 s19, $0x630  }
.Ltmp2:
0x22: {  	s19 =	sadd.s32 $0x10, s19;
	(pc) =	sbr.rel @p0 .LBB2_6-.Ltmp2, $2  }
0x23: {  	_ =	sdelay $0x2  }
0x24: {  	s20 =	sadd.s32 $0x100, s20;
	s21 =	sadd.s32 s21, s5  }
0x25: {  	[tilespmem:s18], [sflag:$0x2] =	stream.linear.gather [hbm4b:s21+s2], $0x80, $0x38;
	[tilespmem:$0xC880] =	vst v63  }
0x26: {  	s18 =	simm.s32 $0x6480  }
0x27: {  	s19 =	simm.s32 $0x10;
	s21 =	sadd.s32 $0x0, s6;
	s20 =	simm.s32 $0x6580  }
.LBB2_8:
0x28: {  	[tilespmem:s18], [sflag:$0x4] =	stream.linear.gather [hbm4b:s21+s2], $0x80, $0x38;
	[tilespmem:$0xC880] =	vst v63  }
0x29: {  	s21 =	smov.u32 s19;
	s18 =	smov.u32 s20;
	p0 =	sne.s32 s19, $0x630  }
.Ltmp3:
0x2a: {  	s19 =	sadd.s32 $0x10, s19;
	(pc) =	sbr.rel @p0 .LBB2_8-.Ltmp3, $2  }
0x2b: {  	_ =	sdelay $0x2  }
0x2c: {  	s20 =	sadd.s32 $0x100, s20;
	s21 =	sadd.s32 s21, s6  }
0x2d: {  	[tilespmem:s18], [sflag:$0x4] =	stream.linear.gather [hbm4b:s21+s2], $0x80, $0x38;
	[tilespmem:$0xC880] =	vst v63  }
0x2e: {  	_ =	swait.ge [sflag:s11], $0x3200  }
0x2f: {  	[sflag:s11] =	ssyncset.done $0x0  }
0x30: {  	[sflag:s11] =	ssyncadd.s32 $0xFFFFCE00  }
0x31: {  	_ =	swait.ge [sflag:s12], $0x3200  }
0x32: {  	[sflag:s12] =	ssyncset.done $0x0  }
0x33: {  	s19 =	simm.s32 $0x0;
	[sflag:s12] =	ssyncadd.s32 $0xFFFFCE00  }
0x34: {  	v0 =	vld [tilespmem:s19+$0x70]  }
0x35: {  	v1 =	vld [tilespmem:s19+$0x6470]  }
0x36: {  	v2 =	vld [tilespmem:s19+$0x0]  }
0x37: {  	v3 =	vld [tilespmem:s19+$0x6400]  }
0x38: {  	v4 =	vld [tilespmem:s19+$0x10]  }
0x39: {  	v5 =	vld [tilespmem:s19+$0x6410]  }
0x3a: {  	v6 =	vld [tilespmem:s19+$0x20]  }
0x3b: {  	v7 =	vld [tilespmem:s19+$0x6420]  }
0x3c: {  	v10 =	vld [tilespmem:s19+$0x30]  }
0x3d: {  	v11 =	vld [tilespmem:s19+$0x6430];
	_ =	sdelay $0x2  }
0x3e: {  	v14 =	vld [tilespmem:s19+$0x40];
	v0 =	vsub.f32 v0, v1;
	v1 =	vsub.f32 v2, v3  }
0x3f: {  	v2 =	vsub.f32 v4, v5;
	v5 =	vld [tilespmem:s19+$0x6440];
	v3 =	vsub.f32 v6, v7  }
0x40: {  	v8 =	vld [tilespmem:s19+$0x50];
	v11 =	vsub.f32 v10, v11;
	v0 =	vmul.f32 v0, v0;
	v1 =	vmul.f32 v1, v1  }
0x41: {  	v9 =	vld [tilespmem:s19+$0x6450];
	v4 =	vimm.f32 $0.0e+00;
	v6 =	vmul.f32 v2, v2;
	v7 =	vmul.f32 v3, v3  }
0x42: {  	v12 =	vld [tilespmem:s19+$0x6460];
	v13 =	vmul.f32 v11, v11;
	v2 =	vadd.f32 v0, v4;
	v3 =	vadd.f32 v1, v4  }
0x43: {  	s18 =	simm.s32 $0x100;
	v10 =	vld [tilespmem:s19+$0x60];
	v0 =	vadd.f32 v6, v4;
	v1 =	vadd.f32 v7, v4;
	v7 =	vimm.f32 $0.0e+00  }
0x44: {  	s19 =	simm.s32 $0x800;
	v11 =	vld [tilespmem:s18+$0x70];
	v6 =	vimm.f32 $0.0e+00;
	v14 =	vsub.f32 v14, v5;
	v5 =	vimm.f32 $0.0e+00  }
.LBB2_10:
0x45: {  	p0 =	sne.s32 s19, $0x18C00;
	v15 =	vld [tilespmem:s18+$0x6470]  }
0x46: {  	v16 =	vld [tilespmem:s18+$0x0];
	v4 =	vadd.f32 v13, v4;
	v13 =	vmul.f32 v14, v14;
	v8 =	vsub.f32 v8, v9  }
0x47: {  	v9 =	vld [tilespmem:s18+$0x6400]  }
0x48: {  	v14 =	vld [tilespmem:s18+$0x10];
	v7 =	vadd.f32 v13, v7;
	v8 =	vmul.f32 v8, v8;
	v10 =	vsub.f32 v10, v12  }
0x49: {  	v12 =	vld [tilespmem:s18+$0x6410]  }
0x4a: {  	v13 =	vld [tilespmem:s18+$0x20];
	v11 =	vsub.f32 v11, v15;
	v5 =	vadd.f32 v8, v5;
	v8 =	vmul.f32 v10, v10  }
0x4b: {  	v10 =	vld [tilespmem:s18+$0x6420]  }
0x4c: {  	v9 =	vsub.f32 v16, v9;
	v15 =	vld [tilespmem:s18+$0x30];
	v11 =	vmul.f32 v11, v11;
	v6 =	vadd.f32 v8, v6  }
0x4d: {  	v16 =	vld [tilespmem:s18+$0x6430]  }
0x4e: {  	v8 =	vmul.f32 v9, v9;
	v9 =	vsub.f32 v14, v12;
	v14 =	vld [tilespmem:s18+$0x40];
	v2 =	vadd.f32 v11, v2  }
0x4f: {  	v17 =	vld [tilespmem:s18+$0x6440]  }
.Ltmp4:
0x50: {  	v3 =	vadd.f32 v8, v3;
	v11 =	vmul.f32 v9, v9;
	v10 =	vsub.f32 v13, v10;
	v8 =	vld [tilespmem:s18+$0x50];
	(pc) =	sbr.rel @p0 .LBB2_10-.Ltmp4, $4  }
0x51: {  	v9 =	vld [tilespmem:s18+$0x6450]  }
0x52: {  	v0 =	vadd.f32 v11, v0;
	v13 =	vmul.f32 v10, v10;
	v15 =	vsub.f32 v15, v16;
	v10 =	vld [tilespmem:s18+$0x60]  }
0x53: {  	v12 =	vld [tilespmem:s18+$0x6460];
	s18 =	sshra.s32 s19, $0x2  }
0x54: {  	s19 =	sadd.s32 $0x400, s19;
	v11 =	vld [tilespmem:s18+$0x70];
	v1 =	vadd.f32 v13, v1;
	v13 =	vmul.f32 v15, v15;
	v14 =	vsub.f32 v14, v17  }
0x55: {  	v15 =	vld [tilespmem:s18+$0x6470]  }
0x56: {  	v16 =	vld [tilespmem:s18+$0x0]  }
0x57: {  	v17 =	vld [tilespmem:s18+$0x6400]  }
0x58: {  	v18 =	vld [tilespmem:s18+$0x10]  }
0x59: {  	v19 =	vld [tilespmem:s18+$0x6410]  }
0x5a: {  	v20 =	vld [tilespmem:s18+$0x20]  }
0x5b: {  	v21 =	vld [tilespmem:s18+$0x6420]  }
0x5c: {  	v22 =	vld [tilespmem:s18+$0x30]  }
0x5d: {  	v23 =	vld [tilespmem:s18+$0x6430]  }
0x5e: {  	v24 =	vld [tilespmem:s18+$0x40]  }
0x5f: {  	v25 =	vld [tilespmem:s18+$0x6440]  }
0x60: {  	v56 =	vld [tilespmem:s18+$0x50];
	v8 =	vsub.f32 v8, v9  }
0x61: {  	v58 =	vld [tilespmem:s18+$0x6450];
	v57 =	vmul.f32 v14, v14;
	v55 =	vsub.f32 v10, v12  }
0x62: {  	v60 =	vld [tilespmem:s18+$0x60];
	v13 =	vadd.f32 v13, v4;
	v8 =	vmul.f32 v8, v8;
	v11 =	vsub.f32 v11, v15  }
0x63: {  	v12 =	vadd.f32 v57, v7;
	v7 =	vld [tilespmem:s18+$0x6460];
	v9 =	vmul.f32 v55, v55;
	v59 =	vsub.f32 v16, v17  }
0x64: {  	v8 =	vadd.f32 v8, v5;
	v61 =	vsub.f32 v24, v25;
	v4 =	vmul.f32 v11, v11  }
0x65: {  	v9 =	vadd.f32 v9, v6;
	v5 =	vmul.f32 v59, v59;
	v6 =	vsub.f32 v18, v19  }
0x66: {  	v4 =	vadd.f32 v4, v2;
	v2 =	vsub.f32 v20, v21  }
0x67: {  	v5 =	vadd.f32 v5, v3;
	v3 =	vsub.f32 v22, v23;
	v6 =	vmul.f32 v6, v6  }
0x68: {  	v10 =	vsub.f32 v56, v58;
	v62 =	vsub.f32 v60, v7;
	v2 =	vmul.f32 v2, v2  }
0x69: {  	v6 =	vadd.f32 v6, v0;
	v0 =	vmul.f32 v3, v3;
	v3 =	vmul.f32 v61, v61  }
0x6a: {  	v63 =	vmul.f32 v62, v62;
	v7 =	vadd.f32 v2, v1;
	v1 =	vmul.f32 v10, v10  }
0x6b: {  	s19 =	simm.s32 $0x10;
	v2 =	vadd.f32 v0, v13;
	v3 =	vadd.f32 v3, v12  }
0x6c: {  	s21 =	sadd.s32 $0x0, s7;
	s20 =	simm.s32 $0x100;
	s18 =	simm.s32 $0x0;
	v0 =	vadd.f32 v63, v9;
	v1 =	vadd.f32 v1, v8  }
.LBB2_12:
0x6d: {  	[tilespmem:s18], [sflag:$0x1] =	stream.linear.gather [hbm4b:s21+s2], $0x80, $0x38;
	[tilespmem:$0xC880] =	vst v63  }
0x6e: {  	s21 =	smov.u32 s19;
	s18 =	smov.u32 s20;
	p0 =	sne.s32 s19, $0x630  }
.Ltmp5:
0x6f: {  	s19 =	sadd.s32 $0x10, s19;
	(pc) =	sbr.rel @p0 .LBB2_12-.Ltmp5, $2  }
0x70: {  	_ =	sdelay $0x2  }
0x71: {  	s20 =	sadd.s32 $0x100, s20;
	s21 =	sadd.s32 s21, s7  }
0x72: {  	[tilespmem:s18], [sflag:$0x1] =	stream.linear.gather [hbm4b:s21+s2], $0x80, $0x38;
	[tilespmem:$0xC880] =	vst v63  }
0x73: {  	s18 =	simm.s32 $0x6400  }
0x74: {  	s19 =	simm.s32 $0x10;
	s21 =	sadd.s32 $0x0, s8;
	s20 =	simm.s32 $0x6500  }
.LBB2_14:
0x75: {  	[tilespmem:s18], [sflag:$0x3] =	stream.linear.gather [hbm4b:s21+s2], $0x80, $0x38;
	[tilespmem:$0xC880] =	vst v63  }
0x76: {  	s21 =	smov.u32 s19;
	s18 =	smov.u32 s20;
	p0 =	sne.s32 s19, $0x630  }
.Ltmp6:
0x77: {  	s19 =	sadd.s32 $0x10, s19;
	(pc) =	sbr.rel @p0 .LBB2_14-.Ltmp6, $2  }
0x78: {  	_ =	sdelay $0x2  }
0x79: {  	s20 =	sadd.s32 $0x100, s20;
	s21 =	sadd.s32 s21, s8  }
0x7a: {  	[tilespmem:s18], [sflag:$0x3] =	stream.linear.gather [hbm4b:s21+s2], $0x80, $0x38;
	[tilespmem:$0xC880] =	vst v63  }
0x7b: {  	_ =	swait.ge [sflag:s13], $0x3200  }
0x7c: {  	[sflag:s13] =	ssyncset.done $0x0  }
0x7d: {  	[sflag:s13] =	ssyncadd.s32 $0xFFFFCE00  }
0x7e: {  	_ =	swait.ge [sflag:s14], $0x3200  }
0x7f: {  	[sflag:s14] =	ssyncset.done $0x0  }
0x80: {  	s19 =	simm.s32 $0x0;
	[sflag:s14] =	ssyncadd.s32 $0xFFFFCE00  }
0x81: {  	v8 =	vld [tilespmem:s19+$0xF0]  }
0x82: {  	v9 =	vld [tilespmem:s19+$0x64F0]  }
0x83: {  	v10 =	vld [tilespmem:s19+$0x80]  }
0x84: {  	v11 =	vld [tilespmem:s19+$0x6480]  }
0x85: {  	v12 =	vld [tilespmem:s19+$0x90]  }
0x86: {  	v13 =	vld [tilespmem:s19+$0x6490]  }
0x87: {  	v14 =	vld [tilespmem:s19+$0xA0]  }
0x88: {  	v15 =	vld [tilespmem:s19+$0x64A0]  }
0x89: {  	v16 =	vld [tilespmem:s19+$0xB0]  }
0x8a: {  	v17 =	vld [tilespmem:s19+$0x64B0]  }
0x8b: {  	v18 =	vld [tilespmem:s19+$0xC0];
	v8 =	vsub.f32 v8, v9  }
0x8c: {  	v19 =	vld [tilespmem:s19+$0x64C0];
	v9 =	vsub.f32 v10, v11;
	v10 =	vsub.f32 v12, v13  }
0x8d: {  	v13 =	vsub.f32 v14, v15;
	v11 =	vld [tilespmem:s19+$0x64D0];
	v12 =	vmul.f32 v8, v8  }
0x8e: {  	v8 =	vld [tilespmem:s19+$0xD0];
	v14 =	vmul.f32 v9, v9;
	v10 =	vmul.f32 v10, v10  }
0x8f: {  	v15 =	vsub.f32 v16, v17;
	v13 =	vmul.f32 v13, v13;
	v9 =	vld [tilespmem:s19+$0xE0];
	v4 =	vadd.f32 v12, v4  }
0x90: {  	s18 =	simm.s32 $0x100;
	v5 =	vadd.f32 v14, v5;
	v6 =	vadd.f32 v10, v6;
	v12 =	vld [tilespmem:s19+$0x64E0]  }
0x91: {  	v10 =	vld [tilespmem:s18+$0xF0];
	s19 =	simm.s32 $0x800;
	v7 =	vadd.f32 v13, v7;
	v13 =	vmul.f32 v15, v15;
	v14 =	vsub.f32 v18, v19  }
.LBB2_16:
0x92: {  	p0 =	sne.s32 s19, $0x18C00;
	v15 =	vld [tilespmem:s18+$0x64F0]  }
0x93: {  	v16 =	vld [tilespmem:s18+$0x80];
	v2 =	vadd.f32 v13, v2;
	v13 =	vmul.f32 v14, v14;
	v8 =	vsub.f32 v8, v11  }
0x94: {  	v11 =	vld [tilespmem:s18+$0x6480]  }
0x95: {  	v14 =	vld [tilespmem:s18+$0x90];
	v3 =	vadd.f32 v13, v3;
	v8 =	vmul.f32 v8, v8;
	v9 =	vsub.f32 v9, v12  }
0x96: {  	v12 =	vld [tilespmem:s18+$0x6490]  }
0x97: {  	v13 =	vld [tilespmem:s18+$0xA0];
	v10 =	vsub.f32 v10, v15;
	v1 =	vadd.f32 v8, v1;
	v8 =	vmul.f32 v9, v9  }
0x98: {  	v9 =	vld [tilespmem:s18+$0x64A0]  }
0x99: {  	v11 =	vsub.f32 v16, v11;
	v15 =	vld [tilespmem:s18+$0xB0];
	v10 =	vmul.f32 v10, v10;
	v0 =	vadd.f32 v8, v0  }
0x9a: {  	v16 =	vld [tilespmem:s18+$0x64B0]  }
0x9b: {  	v8 =	vmul.f32 v11, v11;
	v11 =	vsub.f32 v14, v12;
	v14 =	vld [tilespmem:s18+$0xC0];
	v4 =	vadd.f32 v10, v4  }
0x9c: {  	v17 =	vld [tilespmem:s18+$0x64C0]  }
.Ltmp7:
0x9d: {  	v5 =	vadd.f32 v8, v5;
	v10 =	vmul.f32 v11, v11;
	v9 =	vsub.f32 v13, v9;
	v8 =	vld [tilespmem:s18+$0xD0];
	(pc) =	sbr.rel @p0 .LBB2_16-.Ltmp7, $4  }
0x9e: {  	v11 =	vld [tilespmem:s18+$0x64D0]  }
0x9f: {  	v6 =	vadd.f32 v10, v6;
	v13 =	vmul.f32 v9, v9;
	v15 =	vsub.f32 v15, v16;
	v9 =	vld [tilespmem:s18+$0xE0]  }
0xa0: {  	v12 =	vld [tilespmem:s18+$0x64E0];
	s18 =	sshra.s32 s19, $0x2  }
0xa1: {  	s19 =	sadd.s32 $0x400, s19;
	v10 =	vld [tilespmem:s18+$0xF0];
	v7 =	vadd.f32 v13, v7;
	v13 =	vmul.f32 v15, v15;
	v14 =	vsub.f32 v14, v17  }
0xa2: {  	v15 =	vld [tilespmem:s18+$0x64F0]  }
0xa3: {  	v16 =	vld [tilespmem:s18+$0x80]  }
0xa4: {  	v17 =	vld [tilespmem:s18+$0x6480]  }
0xa5: {  	v18 =	vld [tilespmem:s18+$0x90]  }
0xa6: {  	v19 =	vld [tilespmem:s18+$0x6490]  }
0xa7: {  	v20 =	vld [tilespmem:s18+$0xA0]  }
0xa8: {  	v21 =	vld [tilespmem:s18+$0x64A0]  }
0xa9: {  	v22 =	vld [tilespmem:s18+$0xB0]  }
0xaa: {  	v23 =	vld [tilespmem:s18+$0x64B0]  }
0xab: {  	v24 =	vld [tilespmem:s18+$0xC0]  }
0xac: {  	v25 =	vld [tilespmem:s18+$0x64C0]  }
0xad: {  	v26 =	vld [tilespmem:s18+$0xD0]  }
0xae: {  	v27 =	vld [tilespmem:s18+$0x64D0]  }
0xaf: {  	v28 =	vld [tilespmem:s18+$0xE0]  }
0xb0: {  	v29 =	vld [tilespmem:s18+$0x64E0];
	_ =	swait.ge [sflag:s11], $0x3200  }
0xb1: {  	[sflag:s11] =	ssyncset.done $0x0  }
0xb2: {  	[sflag:s11] =	ssyncadd.s32 $0xFFFFCE00  }
0xb3: {  	_ =	swait.ge [sflag:s12], $0x3200  }
0xb4: {  	v8 =	vsub.f32 v8, v11;
	[sflag:s12] =	ssyncset.done $0x0  }
0xb5: {  	s19 =	simm.s32 $0x0;
	v11 =	vmul.f32 v14, v14;
	[sflag:s12] =	ssyncadd.s32 $0xFFFFCE00  }
0xb6: {  	v8 =	vmul.f32 v8, v8;
	v9 =	vsub.f32 v9, v12;
	v12 =	vld [tilespmem:s19+$0x70]  }
0xb7: {  	v2 =	vadd.f32 v13, v2;
	v3 =	vadd.f32 v11, v3;
	v11 =	vld [tilespmem:s19+$0x6470]  }
0xb8: {  	v10 =	vsub.f32 v10, v15;
	v1 =	vadd.f32 v8, v1;
	v8 =	vmul.f32 v9, v9;
	v9 =	vld [tilespmem:s19+$0x0]  }
0xb9: {  	v13 =	vsub.f32 v16, v17;
	v14 =	vsub.f32 v18, v19;
	v15 =	vld [tilespmem:s19+$0x6400]  }
0xba: {  	v56 =	vld [tilespmem:s19+$0x10];
	v0 =	vadd.f32 v8, v0;
	v8 =	vmul.f32 v10, v10;
	v10 =	vsub.f32 v20, v21  }
0xbb: {  	v57 =	vsub.f32 v22, v23;
	v58 =	vld [tilespmem:s19+$0x6410];
	v13 =	vmul.f32 v13, v13;
	v14 =	vmul.f32 v14, v14  }
0xbc: {  	v59 =	vld [tilespmem:s19+$0x20];
	v8 =	vadd.f32 v8, v4;
	v4 =	vmul.f32 v10, v10;
	v10 =	vsub.f32 v24, v25  }
0xbd: {  	v5 =	vadd.f32 v13, v5;
	v13 =	vadd.f32 v14, v6;
	v6 =	vmul.f32 v57, v57;
	v14 =	vld [tilespmem:s19+$0x6420]  }
0xbe: {  	v61 =	vld [tilespmem:s19+$0x30];
	v60 =	vadd.f32 v4, v7;
	v7 =	vmul.f32 v10, v10;
	v10 =	vsub.f32 v26, v27  }
0xbf: {  	v4 =	vadd.f32 v6, v2;
	v2 =	vsub.f32 v28, v29;
	v6 =	vld [tilespmem:s19+$0x6430]  }
0xc0: {  	v62 =	vld [tilespmem:s19+$0x40];
	v3 =	vadd.f32 v7, v3;
	v7 =	vmul.f32 v10, v10;
	v10 =	vsub.f32 v12, v11  }
0xc1: {  	v9 =	vsub.f32 v9, v15;
	v15 =	vld [tilespmem:s19+$0x6440];
	v11 =	vmul.f32 v2, v2;
	v12 =	vsub.f32 v56, v58  }
0xc2: {  	v14 =	vsub.f32 v59, v14;
	v2 =	vadd.f32 v7, v1;
	v7 =	vmul.f32 v10, v10;
	v10 =	vld [tilespmem:s19+$0x50]  }
0xc3: {  	v1 =	vadd.f32 v11, v0;
	v11 =	vmul.f32 v9, v9;
	v16 =	vmul.f32 v12, v12;
	v12 =	vld [tilespmem:s19+$0x6450]  }
0xc4: {  	v9 =	vld [tilespmem:s19+$0x60];
	v14 =	vmul.f32 v14, v14;
	v63 =	vsub.f32 v61, v6;
	v0 =	vadd.f32 v7, v8  }
0xc5: {  	s18 =	simm.s32 $0x100;
	v6 =	vadd.f32 v11, v5;
	v7 =	vadd.f32 v16, v13;
	v11 =	vld [tilespmem:s19+$0x6460]  }
0xc6: {  	v8 =	vld [tilespmem:s18+$0x70];
	s19 =	simm.s32 $0x800;
	v13 =	vsub.f32 v62, v15;
	v5 =	vadd.f32 v14, v60;
	v14 =	vmul.f32 v63, v63  }
.LBB2_18:
0xc7: {  	p0 =	sne.s32 s19, $0x18C00;
	v15 =	vld [tilespmem:s18+$0x6470]  }
0xc8: {  	v16 =	vld [tilespmem:s18+$0x0];
	v4 =	vadd.f32 v14, v4;
	v13 =	vmul.f32 v13, v13;
	v10 =	vsub.f32 v10, v12  }
0xc9: {  	v12 =	vld [tilespmem:s18+$0x6400]  }
0xca: {  	v14 =	vld [tilespmem:s18+$0x10];
	v3 =	vadd.f32 v13, v3;
	v10 =	vmul.f32 v10, v10;
	v9 =	vsub.f32 v9, v11  }
0xcb: {  	v11 =	vld [tilespmem:s18+$0x6410]  }
0xcc: {  	v13 =	vld [tilespmem:s18+$0x20];
	v8 =	vsub.f32 v8, v15;
	v2 =	vadd.f32 v10, v2;
	v9 =	vmul.f32 v9, v9  }
0xcd: {  	v10 =	vld [tilespmem:s18+$0x6420]  }
0xce: {  	v12 =	vsub.f32 v16, v12;
	v15 =	vld [tilespmem:s18+$0x30];
	v8 =	vmul.f32 v8, v8;
	v1 =	vadd.f32 v9, v1  }
0xcf: {  	v9 =	vld [tilespmem:s18+$0x6430]  }
0xd0: {  	v12 =	vmul.f32 v12, v12;
	v11 =	vsub.f32 v14, v11;
	v16 =	vld [tilespmem:s18+$0x40];
	v0 =	vadd.f32 v8, v0  }
0xd1: {  	v17 =	vld [tilespmem:s18+$0x6440]  }
.Ltmp8:
0xd2: {  	v6 =	vadd.f32 v12, v6;
	v8 =	vmul.f32 v11, v11;
	v11 =	vsub.f32 v13, v10;
	v10 =	vld [tilespmem:s18+$0x50];
	(pc) =	sbr.rel @p0 .LBB2_18-.Ltmp8, $4  }
0xd3: {  	v12 =	vld [tilespmem:s18+$0x6450]  }
0xd4: {  	v7 =	vadd.f32 v8, v7;
	v13 =	vmul.f32 v11, v11;
	v14 =	vsub.f32 v15, v9;
	v9 =	vld [tilespmem:s18+$0x60]  }
0xd5: {  	v11 =	vld [tilespmem:s18+$0x6460];
	s18 =	sshra.s32 s19, $0x2  }
0xd6: {  	s19 =	sadd.s32 $0x400, s19;
	v8 =	vld [tilespmem:s18+$0x70];
	v5 =	vadd.f32 v13, v5;
	v14 =	vmul.f32 v14, v14;
	v13 =	vsub.f32 v16, v17  }
0xd7: {  	v15 =	vld [tilespmem:s18+$0x0]  }
0xd8: {  	v16 =	vld [tilespmem:s18+$0x6400]  }
0xd9: {  	v17 =	vld [tilespmem:s18+$0x10]  }
0xda: {  	v18 =	vld [tilespmem:s18+$0x6410]  }
0xdb: {  	v19 =	vld [tilespmem:s18+$0x20]  }
0xdc: {  	v20 =	vld [tilespmem:s18+$0x6420]  }
0xdd: {  	v21 =	vld [tilespmem:s18+$0x30]  }
0xde: {  	v22 =	vld [tilespmem:s18+$0x6430]  }
0xdf: {  	v23 =	vld [tilespmem:s18+$0x40]  }
0xe0: {  	v44 =	vld [tilespmem:s18+$0x6440];
	v15 =	vsub.f32 v15, v16;
	v43 =	vsub.f32 v17, v18  }
0xe1: {  	v49 =	vld [tilespmem:s18+$0x50];
	v4 =	vadd.f32 v14, v4  }
0xe2: {  	v51 =	vld [tilespmem:s18+$0x6450];
	v48 =	vsub.f32 v19, v20;
	v46 =	vmul.f32 v15, v15;
	v47 =	vmul.f32 v43, v43  }
0xe3: {  	v53 =	vld [tilespmem:s18+$0x60];
	v10 =	vsub.f32 v10, v12;
	v45 =	vmul.f32 v13, v13;
	v50 =	vsub.f32 v21, v22  }
0xe4: {  	v55 =	vld [tilespmem:s18+$0x6460];
	v52 =	vmul.f32 v48, v48;
	v6 =	vadd.f32 v46, v6;
	v7 =	vadd.f32 v47, v7  }
0xe5: {  	v3 =	vadd.f32 v45, v3;
	v54 =	vsub.f32 v23, v44  }
0xe6: {  	v56 =	vld [tilespmem:s18+$0x6470];
	v12 =	vmul.f32 v50, v50;
	v5 =	vadd.f32 v52, v5;
	v6 =	vadd.f32 v7, v6  }
0xe7: {  	v9 =	vsub.f32 v9, v11;
	v10 =	vmul.f32 v10, v10;
	v57 =	vsub.f32 v49, v51  }
0xe8: {  	v11 =	vmul.f32 v54, v54;
	v4 =	vadd.f32 v12, v4;
	v5 =	vadd.f32 v5, v6  }
0xe9: {  	v2 =	vadd.f32 v10, v2;
	v58 =	vmul.f32 v9, v9;
	v60 =	vsub.f32 v53, v55  }
0xea: {  	v59 =	vmul.f32 v57, v57;
	v3 =	vadd.f32 v11, v3;
	v4 =	vadd.f32 v4, v5  }
0xeb: {  	v61 =	vsub.f32 v8, v56;
	v1 =	vadd.f32 v58, v1  }
0xec: {  	v62 =	vmul.f32 v60, v60;
	v2 =	vadd.f32 v59, v2;
	v3 =	vadd.f32 v3, v4;
	_ =	sdelay $0x1  }
0xed: {  	v63 =	vmul.f32 v61, v61;
	v1 =	vadd.f32 v62, v1;
	v2 =	vadd.f32 v2, v3;
	_ =	sdelay $0x1  }
0xee: {  	v0 =	vadd.f32 v63, v0;
	v1 =	vadd.f32 v1, v2;
	_ =	sdelay $0x1  }
0xef: {  	s17 =	sadd.s32 $0x1, s17;
	v0 =	vadd.f32 v0, v1  }
0xf0: {  	p0 =	sne.s32 s17, s10  }
.Ltmp9:
0xf1: {  	[tilespmem:$0xC800] =	vst v0;
	(pc) =	sbr.rel @p0 .LBB2_1-.Ltmp9, $4  }
0xf2: {  	[hbm4b:s9+s2] =	stream.linear.scatter [tilespmem:s15], [sflag:$0x5], $0x80, $0x38;
	[tilespmem:$0xC880] =	vst v63  }
0xf3: {  	_ =	swait.ge [sflag:s16], $0x80  }
0xf4: {  	[sflag:s16] =	ssyncset.done $0x0  }
0xf5: {  	[sflag:s16] =	ssyncadd.s32 $0xFFFFFF80  }
0xf6: {  	_ =	sfence.sel $0x180000  }
0xf7: {  	[bflag:$0x0] =	sbarrier.arrive $0xFFFF  }
0xf8: {  	p0 =	sne.s32 s0, $0x0;
	_ =	strace $0x90000047  }
0xf9: {  	s0 =	sadd.s32 @!p0 $0x100000, s1;
	[bflag:$0x2] =	sbarrier.arrive $0xFFFF  }
0xfa: {  	[sflag:s0] =	ssyncadd.tile.s32 @!p0 $0x1;
	_ =	shalt  }
.Lfunc_end2:
_tile_overlayer_lowered:
.L_overlay_start_2:
0xfb: {  	(tag) =	ssettag $0x2  }
0xfc: {  	s0 =	rddreg [dreg:$0x0];
	s2 =	stileid.u32  }
0xfd: {  	s1 =	rddreg [dreg:$0x1];
	p0 =	sne.s32 s2, $0x0  }
0xfe: {  	s3 =	rddreg [dreg:$0x2];
	[bflag:$0x3] =	sbarrier.arrive $0xFFFF;
	s2 =	simm.s32 @!p0 $0x1C05  }
0xff: {  	[timem:s3], [sflag:s2] =	dma.local @!p0 [hbm:s0], s1  }
0x100: {  	s0 =	simm.s32 @!p0 $0x5  }
0x101: {  	_ =	swait.ge @!p0 [sflag:s0], s1  }
0x102: {  	s1 =	ssub.s32 @!p0 $0x0, s1;
	[sflag:s0] =	ssyncset.done @!p0 $0x0  }
0x103: {  	[sflag:s0] =	ssyncadd.s32 @!p0 s1  }
0x104: {  	[bflag:$0x3] =	sbarrier.arrive $0xFFFF  }
0x105: {  	_ =	shalt  }

</sc_bundles>
